<compile_context>
chip_gen: v7x
topology: tpu7x:2x2x1
jax: 0.10.2.dev20260603
libtpu: 0.0.44.dev20260713+nightly
codegen_flags: <defaults>
</compile_context>

<pallas_src>
import functools

import numpy as np
import jax
import jax.numpy as jnp
from jax import lax
from jax.experimental import pallas as pl
from jax.experimental.pallas import tpu as pltpu
from jax.experimental.pallas import tpu_sc as plsc



_SB = 64


def _temporal_body(t_ref, idx_ref, mt_ref, emb_ref, out_ref):
    t = t_ref[0]
    idx = idx_ref[0]
    mt = mt_ref[0]
    emb = emb_ref[...]
    out_ref[0, :, 0, :] = t[:, 0, :] + emb[0, :][None, :]
    v0 = t[:, 1, :]
    v1 = t[:, 2, :]
    v2 = t[:, 3, :]
    for j in range(4):
        k = idx[:, j][:, None]
        r = jnp.where(k == 1, v1, v0)
        r = jnp.where(k == 2, v2, r)
        r = jnp.where(k >= 3, mt, r)
        if j < 3:
            r = r + emb[j + 1, :][None, :]
        out_ref[0, :, 1 + j, :] = r


def _temporal_revert(temporal, tidx, mask_token, emb):
    B, S, M, D = temporal.shape
    grid = (B, S // _SB)
    return pl.pallas_call(
        _temporal_body,
        grid=grid,
        in_specs=[
            pl.BlockSpec((1, _SB, M, D), lambda b, s: (b, s, 0, 0)),
            pl.BlockSpec((1, _SB, M), lambda b, s: (b, s, 0)),
            pl.BlockSpec((1, 1, D), lambda b, s: (0, 0, 0)),
            pl.BlockSpec(emb.shape, lambda b, s: (0, 0)),
        ],
        out_specs=pl.BlockSpec((1, _SB, M + 1, D), lambda b, s: (b, s, 0, 0)),
        out_shape=jax.ShapeDtypeStruct((B, S, M + 1, D), jnp.float32),
    )(temporal, tidx, mask_token, emb)



def _bias_add(x, bias, n_valid, read_rows):
    B, P, D = x.shape
    L = n_valid

    def body(x_ref, b_ref, o_ref):
        o_ref[0] = x_ref[0, :L, :] + b_ref[...]

    return pl.pallas_call(
        body,
        grid=(B,),
        in_specs=[
            pl.BlockSpec((1, read_rows, D), lambda b: (b, 0, 0)),
            pl.BlockSpec((L, D), lambda b: (0, 0)),
        ],
        out_specs=pl.BlockSpec((1, L, D), lambda b: (b, 0, 0)),
        out_shape=jax.ShapeDtypeStruct((B, L, D), jnp.float32),
    )(x, bias)



_PI = 200
_PN = 280
_RPW = 120
_CH = 40
_NCHUNK = _RPW // _CH


def _sc_gather(table, didx):
    D = table.shape[1]
    B = 8
    info = plsc.get_sparse_core_info()
    nc, ns = info.num_cores, info.num_subcores
    half = B * _PI
    mesh = plsc.VectorSubcoreMesh(core_axis_name="c", subcore_axis_name="s")

    @functools.partial(
        pl.kernel,
        mesh=mesh,
        out_type=[
            jax.ShapeDtypeStruct((B * _PI, D), jnp.float32),
            jax.ShapeDtypeStruct((B * _PN, D), jnp.float32),
        ],
        scratch_types=(
            [pltpu.VMEM((_CH,), jnp.int32) for _ in range(_NCHUNK)]
            + [pltpu.VMEM((_CH, D), jnp.float32) for _ in range(_NCHUNK)]
            + [pltpu.SemaphoreType.DMA for _ in range(_NCHUNK)]
            + [pltpu.SemaphoreType.DMA]
        ),
    )
    def k(table_h, didx_h, oi_h, on_h, *rest):
        idxs = rest[:_NCHUNK]
        bufs = rest[_NCHUNK:2 * _NCHUNK]
        gsems = rest[2 * _NCHUNK:3 * _NCHUNK]
        osem = rest[3 * _NCHUNK]
        wid = lax.axis_index("s") * nc + lax.axis_index("c")
        base = wid * _RPW
        for c in range(_NCHUNK):
            pltpu.sync_copy(didx_h.at[pl.ds(base + c * _CH, _CH)], idxs[c])
        gs = [pltpu.async_copy(table_h.at[idxs[c]], bufs[c], gsems[c])
              for c in range(_NCHUNK)]
        for c in range(_NCHUNK):
            gs[c].wait()
            goff = base + c * _CH

            @pl.when(goff < half)
            def _(c=c, goff=goff):
                pltpu.async_copy(
                    bufs[c], oi_h.at[pl.ds(goff, _CH)], osem).wait()

            @pl.when(goff >= half)
            def _(c=c, goff=goff):
                pltpu.async_copy(
                    bufs[c], on_h.at[pl.ds(goff - half, _CH)], osem).wait()

    return k(table, didx)


def _np_sinusoidal_pe(d_model, max_len):
    position = np.arange(max_len, dtype=np.float64)[:, None]
    div_term = np.exp(
        np.arange(0, d_model, 2, dtype=np.float64) * (-np.log(10000.0) / d_model))
    pe = np.zeros((max_len, d_model), dtype=np.float64)
    pe[:, 0::2] = np.sin(position * div_term)
    pe[:, 1::2] = np.cos(position * div_term)
    return pe.astype(np.float32)


def _revert_indices(ridx, mask, kept, row_base, mask_row):
    Bb = ridx.shape[0]
    jc = jnp.minimum(ridx + 1, kept)
    mask_at = jnp.take_along_axis(mask, jc, axis=1)
    valid = (ridx < kept) & (mask_at == 1)
    base = row_base + jnp.arange(Bb, dtype=jnp.int32)[:, None] * mask.shape[1]
    body = jnp.where(valid, base + jc, mask_row)
    head = jnp.where(mask[:, :1] == 1, base, mask_row)
    return jnp.concatenate([head, body], axis=1).astype(jnp.int32)



def kernel(temporal, temporal_revert_idx, img, img_remain_padding_mask,
           img_revert_idx, nlp, nlp_remain_padding_mask, nlp_revert_idx,
           mask_token, modality_emb_table, pos_enc_2d):
    D = temporal.shape[-1]
    B = temporal.shape[0]

    n_img = img.shape[0] * img.shape[1]
    n_nlp = nlp.shape[0] * nlp.shape[1]
    mask_row = n_img + n_nlp

    Li = img_revert_idx.shape[-1] + 1
    Ln = nlp_revert_idx.shape[-1] + 1

    d_img = _revert_indices(
        img_revert_idx.astype(jnp.int32), img_remain_padding_mask,
        img.shape[1] - 1, 0, mask_row)
    d_nlp = _revert_indices(
        nlp_revert_idx.astype(jnp.int32), nlp_remain_padding_mask,
        nlp.shape[1] - 1, n_img, mask_row)
    pad_i = jnp.full((B, _PI - Li), mask_row, jnp.int32)
    pad_n = jnp.full((B, _PN - Ln), mask_row, jnp.int32)
    didx = jnp.concatenate(
        [jnp.concatenate([d_img, pad_i], axis=1).reshape(-1),
         jnp.concatenate([d_nlp, pad_n], axis=1).reshape(-1)])

    table = jnp.concatenate(
        [img.reshape(n_img, D), nlp.reshape(n_nlp, D),
         mask_token.reshape(1, D)], axis=0)

    oi, on = _sc_gather(table, didx)

    trb = _temporal_revert(
        temporal, temporal_revert_idx.astype(jnp.int32), mask_token,
        modality_emb_table)

    img_out = _bias_add(oi.reshape(B, _PI, D), pos_enc_2d[:Li], Li, 200)
    pe = jnp.asarray(_np_sinusoidal_pe(D, Ln))
    nlp_out = _bias_add(on.reshape(B, _PN, D), pe, Ln, 264)
    return (trb, img_out, nlp_out)

# --- scband reference (transcript-rebuilt; emitter-appended) ---
"""Pipeline reference for scband-revert-4715874091513 (READ-ONLY COPY).

The authoritative reference and input builder live on the scoring server;
editing this copy changes nothing except your own understanding.
"""

import jax, jax.numpy as jnp
import numpy as np


def _get_1d_sincos(embed_dim, pos):
    omega = np.arange(embed_dim // 2, dtype=np.float64) / (embed_dim / 2.0)
    omega = 1.0 / 10000 ** omega
    out = np.einsum('m,d->md', pos.reshape(-1).astype(np.float64), omega)
    return np.concatenate([np.sin(out), np.cos(out)], axis=1)


def get_2d_sincos_pos_embed(embed_dim, grid_size, cls_token=False):
    grid_h = np.arange(grid_size, dtype=np.float32)
    grid_w = np.arange(grid_size, dtype=np.float32)
    grid = np.meshgrid(grid_w, grid_h)
    grid = np.stack(grid, axis=0).reshape([2, 1, grid_size, grid_size])
    emb_h = _get_1d_sincos(embed_dim // 2, grid[0])
    emb_w = _get_1d_sincos(embed_dim // 2, grid[1])
    pos = np.concatenate([emb_h, emb_w], axis=1)
    if cls_token:
        pos = np.concatenate([np.zeros([1, embed_dim]), pos], axis=0)
    return pos.astype(np.float32)


def sinusoidal_pe(d_model, max_len):
    position = np.arange(max_len, dtype=np.float64)[:, None]
    div_term = np.exp(np.arange(0, d_model, 2, dtype=np.float64) * (-np.log(10000.0) / d_model))
    pe = np.zeros((max_len, d_model), dtype=np.float64)
    pe[:, 0::2] = np.sin(position * div_term)
    pe[:, 1::2] = np.cos(position * div_term)
    return pe.astype(np.float32)


def setup_inputs(seed: int = 0):
    key = jax.random.key(seed)
    ks = jax.random.split(key, 10)
    d = 768
    return {
        'temporal': jax.random.normal(ks[0], (8, 512, 4, d), dtype=jnp.float32),
        'temporal_revert_idx': jax.random.randint(ks[1], (8, 512, 4), 0, 4),
        'img': jax.random.normal(ks[2], (8, 50, d), dtype=jnp.float32),
        'img_remain_padding_mask': jax.random.randint(ks[3], (8, 50), 0, 2),
        'img_revert_idx': jax.random.randint(ks[4], (8, 196), 0, 196),
        'nlp': jax.random.normal(ks[5], (8, 129, d), dtype=jnp.float32),
        'nlp_remain_padding_mask': jax.random.randint(ks[6], (8, 129), 0, 2),
        'nlp_revert_idx': jax.random.randint(ks[7], (8, 256), 0, 256),
        'mask_token': jax.random.normal(ks[8], (1, 1, d), dtype=jnp.float32) * 0.02,
        'modality_emb_table': jax.random.normal(ks[9], (8, d), dtype=jnp.float32) * 0.02,
        'pos_enc_2d': jnp.asarray(get_2d_sincos_pos_embed(d, 224 // 16, cls_token=True)),
    }


def _static_revert(data, mask, ridx, mask_token):
    dm = jnp.where(mask[..., None] == 1, data, mask_token)
    g = dm[:, :1, :]
    v = dm[:, 1:, :]
    b, kept, d = v.shape
    Lr = ridx.shape[-1]
    mt = jnp.broadcast_to(mask_token, (b, Lr - kept, d))
    v = jnp.concatenate([v, mt], axis=1)
    iidx = jnp.broadcast_to(ridx[..., None], (b, Lr, d))
    rv = jnp.take_along_axis(v, iidx, axis=1)
    return jnp.concatenate([g, rv], axis=1)


def reference(temporal, temporal_revert_idx, img, img_remain_padding_mask, img_revert_idx, nlp, nlp_remain_padding_mask, nlp_revert_idx, mask_token, modality_emb_table, pos_enc_2d):
    d = temporal.shape[-1]
    # temporal revert
    global_seq = temporal[:, :, :1, :]
    valid_seq = temporal[:, :, 1:, :]
    B, S, num_mod, _ = valid_seq.shape
    L = temporal_revert_idx.shape[-1]
    mtok = jnp.broadcast_to(mask_token[:, None, :, :], (B, S, L - num_mod, d))
    full_seq = jnp.concatenate([valid_seq, mtok], axis=-2)
    idx = jnp.broadcast_to(temporal_revert_idx[..., None], (B, S, L, d))
    revert_seq = jnp.take_along_axis(full_seq, idx, axis=-2)
    trb = jnp.concatenate([global_seq, revert_seq], axis=-2)
    for m in range(num_mod + 1):
        trb = trb.at[:, :, m, :].add(modality_emb_table[m])
    # static reverts
    img_out = _static_revert(img, img_remain_padding_mask, img_revert_idx, mask_token) + pos_enc_2d
    nlp_out = _static_revert(nlp, nlp_remain_padding_mask, nlp_revert_idx, mask_token)
    pe = jnp.asarray(sinusoidal_pe(d, nlp_out.shape[1]))
    nlp_out = nlp_out + pe[None, :, :]
    return (trb, img_out, nlp_out)

if __name__ == "__main__":
    import jax
    _d = setup_inputs()
    print(jax.jit(kernel)(*tuple(_d.values())))

</pallas_src>

<mosaic_0001>
#map = affine_map<(d0, d1) -> (0, 0)>
#map1 = affine_map<(d0, d1) -> (0)>
module attributes {stable_mosaic.version = 14 : i64} {
  func.func @k(%arg0: i32, %arg1: i32, %arg2: memref<1433x768xf32, #tpu.memory_space<hbm>>, %arg3: memref<3840xi32, #tpu.memory_space<hbm>>, %arg4: memref<1600x768xf32, #tpu.memory_space<hbm>>, %arg5: memref<2240x768xf32, #tpu.memory_space<hbm>>, %arg6: memref<40xi32, #tpu.memory_space<vmem>>, %arg7: memref<40xi32, #tpu.memory_space<vmem>>, %arg8: memref<40xi32, #tpu.memory_space<vmem>>, %arg9: memref<40x768xf32, #tpu.memory_space<vmem>>, %arg10: memref<40x768xf32, #tpu.memory_space<vmem>>, %arg11: memref<40x768xf32, #tpu.memory_space<vmem>>, %arg12: memref<!tpu.dma_semaphore, #tpu.memory_space<semaphore_mem>>, %arg13: memref<!tpu.dma_semaphore, #tpu.memory_space<semaphore_mem>>, %arg14: memref<!tpu.dma_semaphore, #tpu.memory_space<semaphore_mem>>, %arg15: memref<!tpu.dma_semaphore, #tpu.memory_space<semaphore_mem>>) attributes {dimension_semantics = [#tpu.dimension_semantics<core_parallel>, #tpu.dimension_semantics<subcore_parallel>], iteration_bounds = array<i64: 2, 16>, scalar_prefetch = 0 : i64, scratch_operands = 10 : i64, tpu.core_type = #tpu.core_type<sc_vector_subcore>, window_params = [{transform_indices = #map}, {transform_indices = #map1}, {transform_indices = #map}, {transform_indices = #map}]} {
    %mul3A = arith.constant 2 : i32
    %mul3A_0 = arith.muli %arg1, %mul3A : i32
    %add3A = arith.addi %mul3A_0, %arg0 : i32
    %mul3A_1 = arith.constant 120 : i32
    %mul3A_2 = arith.muli %add3A, %mul3A_1 : i32
    %add3A_3 = arith.constant 0 : i32
    %add3A_4 = arith.addi %mul3A_2, %add3A_3 : i32
    "tpu.region"() ({
      %run_scoped3A = tpu.sem_alloc : memref<!tpu.dma_semaphore, #tpu.memory_space<semaphore_mem>>
      %dma_start3A_57 = tpu.memref_slice %arg3[%add3A_4] : memref<3840xi32, #tpu.memory_space<hbm>> -> memref<40xi32, #tpu.memory_space<hbm>>
      %dma_start3A_58 = tpu.memref_slice %arg3[%add3A_4] : memref<3840xi32, #tpu.memory_space<hbm>> -> memref<40xi32, #tpu.memory_space<hbm>>
      tpu.enqueue_dma source(%dma_start3A_58 : memref<40xi32, #tpu.memory_space<hbm>>) target(%arg6 : memref<40xi32, #tpu.memory_space<vmem>>) target_semaphore(%run_scoped3A : memref<!tpu.dma_semaphore, #tpu.memory_space<semaphore_mem>>)
      %dma_wait3A_59 = tpu.memref_slice %arg3[%add3A_4] : memref<3840xi32, #tpu.memory_space<hbm>> -> memref<40xi32, #tpu.memory_space<hbm>>
      %dma_wait3A_60 = tpu.memref_slice %arg3[%add3A_4] : memref<3840xi32, #tpu.memory_space<hbm>> -> memref<40xi32, #tpu.memory_space<hbm>>
      tpu.wait_dma2 semaphore(%run_scoped3A : memref<!tpu.dma_semaphore, #tpu.memory_space<semaphore_mem>>) src(%dma_wait3A_60 : memref<40xi32, #tpu.memory_space<hbm>>) dst(%arg6 : memref<40xi32, #tpu.memory_space<vmem>>)
      tpu.yield
    }) : () -> ()
    %add3A_5 = arith.constant 40 : i32
    %add3A_6 = arith.addi %mul3A_2, %add3A_5 : i32
    "tpu.region"() ({
      %run_scoped3A = tpu.sem_alloc : memref<!tpu.dma_semaphore, #tpu.memory_space<semaphore_mem>>
      %dma_start3A_57 = tpu.memref_slice %arg3[%add3A_6] : memref<3840xi32, #tpu.memory_space<hbm>> -> memref<40xi32, #tpu.memory_space<hbm>>
      %dma_start3A_58 = tpu.memref_slice %arg3[%add3A_6] : memref<3840xi32, #tpu.memory_space<hbm>> -> memref<40xi32, #tpu.memory_space<hbm>>
      tpu.enqueue_dma source(%dma_start3A_58 : memref<40xi32, #tpu.memory_space<hbm>>) target(%arg7 : memref<40xi32, #tpu.memory_space<vmem>>) target_semaphore(%run_scoped3A : memref<!tpu.dma_semaphore, #tpu.memory_space<semaphore_mem>>)
      %dma_wait3A_59 = tpu.memref_slice %arg3[%add3A_6] : memref<3840xi32, #tpu.memory_space<hbm>> -> memref<40xi32, #tpu.memory_space<hbm>>
      %dma_wait3A_60 = tpu.memref_slice %arg3[%add3A_6] : memref<3840xi32, #tpu.memory_space<hbm>> -> memref<40xi32, #tpu.memory_space<hbm>>
      tpu.wait_dma2 semaphore(%run_scoped3A : memref<!tpu.dma_semaphore, #tpu.memory_space<semaphore_mem>>) src(%dma_wait3A_60 : memref<40xi32, #tpu.memory_space<hbm>>) dst(%arg7 : memref<40xi32, #tpu.memory_space<vmem>>)
      tpu.yield
    }) : () -> ()
    %add3A_7 = arith.constant 80 : i32
    %add3A_8 = arith.addi %mul3A_2, %add3A_7 : i32
    "tpu.region"() ({
      %run_scoped3A = tpu.sem_alloc : memref<!tpu.dma_semaphore, #tpu.memory_space<semaphore_mem>>
      %dma_start3A_57 = tpu.memref_slice %arg3[%add3A_8] : memref<3840xi32, #tpu.memory_space<hbm>> -> memref<40xi32, #tpu.memory_space<hbm>>
      %dma_start3A_58 = tpu.memref_slice %arg3[%add3A_8] : memref<3840xi32, #tpu.memory_space<hbm>> -> memref<40xi32, #tpu.memory_space<hbm>>
      tpu.enqueue_dma source(%dma_start3A_58 : memref<40xi32, #tpu.memory_space<hbm>>) target(%arg8 : memref<40xi32, #tpu.memory_space<vmem>>) target_semaphore(%run_scoped3A : memref<!tpu.dma_semaphore, #tpu.memory_space<semaphore_mem>>)
      %dma_wait3A_59 = tpu.memref_slice %arg3[%add3A_8] : memref<3840xi32, #tpu.memory_space<hbm>> -> memref<40xi32, #tpu.memory_space<hbm>>
      %dma_wait3A_60 = tpu.memref_slice %arg3[%add3A_8] : memref<3840xi32, #tpu.memory_space<hbm>> -> memref<40xi32, #tpu.memory_space<hbm>>
      tpu.wait_dma2 semaphore(%run_scoped3A : memref<!tpu.dma_semaphore, #tpu.memory_space<semaphore_mem>>) src(%dma_wait3A_60 : memref<40xi32, #tpu.memory_space<hbm>>) dst(%arg8 : memref<40xi32, #tpu.memory_space<vmem>>)
      tpu.yield
    }) : () -> ()
    %dma_start3A = arith.constant 0 : i32
    %dma_start3A_9 = arith.constant 0 : i32
    %dma_start3A_10 = tpu.memref_slice %arg2[%dma_start3A, %dma_start3A_9] : memref<1433x768xf32, #tpu.memory_space<hbm>> -> memref<1433x768xf32, #tpu.memory_space<hbm>>
    tpu.enqueue_indirect_dma source(%dma_start3A_10 : memref<1433x768xf32, #tpu.memory_space<hbm>>) target(%arg9 : memref<40x768xf32, #tpu.memory_space<vmem>>) offsets(%arg6 : memref<40xi32, #tpu.memory_space<vmem>>) semaphore(%arg12 : memref<!tpu.dma_semaphore, #tpu.memory_space<semaphore_mem>>)
    %dma_start3A_11 = arith.constant 0 : i32
    %dma_start3A_12 = arith.constant 0 : i32
    %dma_start3A_13 = tpu.memref_slice %arg2[%dma_start3A_11, %dma_start3A_12] : memref<1433x768xf32, #tpu.memory_space<hbm>> -> memref<1433x768xf32, #tpu.memory_space<hbm>>
    tpu.enqueue_indirect_dma source(%dma_start3A_13 : memref<1433x768xf32, #tpu.memory_space<hbm>>) target(%arg10 : memref<40x768xf32, #tpu.memory_space<vmem>>) offsets(%arg7 : memref<40xi32, #tpu.memory_space<vmem>>) semaphore(%arg13 : memref<!tpu.dma_semaphore, #tpu.memory_space<semaphore_mem>>)
    %dma_start3A_14 = arith.constant 0 : i32
    %dma_start3A_15 = arith.constant 0 : i32
    %dma_start3A_16 = tpu.memref_slice %arg2[%dma_start3A_14, %dma_start3A_15] : memref<1433x768xf32, #tpu.memory_space<hbm>> -> memref<1433x768xf32, #tpu.memory_space<hbm>>
    tpu.enqueue_indirect_dma source(%dma_start3A_16 : memref<1433x768xf32, #tpu.memory_space<hbm>>) target(%arg11 : memref<40x768xf32, #tpu.memory_space<vmem>>) offsets(%arg8 : memref<40xi32, #tpu.memory_space<vmem>>) semaphore(%arg14 : memref<!tpu.dma_semaphore, #tpu.memory_space<semaphore_mem>>)
    %dma_wait3A = arith.constant 0 : i32
    %dma_wait3A_17 = arith.constant 0 : i32
    %dma_wait3A_18 = tpu.memref_slice %arg2[%dma_wait3A, %dma_wait3A_17] : memref<1433x768xf32, #tpu.memory_space<hbm>> -> memref<1433x768xf32, #tpu.memory_space<hbm>>
    tpu.wait_indirect_dma semaphore(%arg12 : memref<!tpu.dma_semaphore, #tpu.memory_space<semaphore_mem>>) src(%dma_wait3A_18 : memref<1433x768xf32, #tpu.memory_space<hbm>>) dst(%arg9 : memref<40x768xf32, #tpu.memory_space<vmem>>)
    %add3A_19 = arith.constant 0 : i32
    %add3A_20 = arith.addi %mul3A_2, %add3A_19 : i32
    %lt3A = arith.constant 1600 : i32
    %lt3A_21 = arith.cmpi slt, %add3A_20, %lt3A : i32
    %convert_element_type3A = arith.extui %lt3A_21 : i1 to i32
    %cond3A = arith.constant 0 : i32
    %cond3A_22 = arith.cmpi ne, %convert_element_type3A, %cond3A : i32
    scf.if %cond3A_22 {
      %dma_start3A_57 = arith.constant 0 : i32
      %dma_start3A_58 = tpu.memref_slice %arg4[%add3A_20, %dma_start3A_57] : memref<1600x768xf32, #tpu.memory_space<hbm>> -> memref<40x768xf32, #tpu.memory_space<hbm>>
      %dma_start3A_59 = arith.constant 0 : i32
      %dma_start3A_60 = tpu.memref_slice %arg4[%add3A_20, %dma_start3A_59] : memref<1600x768xf32, #tpu.memory_space<hbm>> -> memref<40x768xf32, #tpu.memory_space<hbm>>
      tpu.enqueue_dma source(%arg9 : memref<40x768xf32, #tpu.memory_space<vmem>>) target(%dma_start3A_60 : memref<40x768xf32, #tpu.memory_space<hbm>>) target_semaphore(%arg15 : memref<!tpu.dma_semaphore, #tpu.memory_space<semaphore_mem>>)
      %dma_wait3A_61 = arith.constant 0 : i32
      %dma_wait3A_62 = tpu.memref_slice %arg4[%add3A_20, %dma_wait3A_61] : memref<1600x768xf32, #tpu.memory_space<hbm>> -> memref<40x768xf32, #tpu.memory_space<hbm>>
      %dma_wait3A_63 = arith.constant 0 : i32
      %dma_wait3A_64 = tpu.memref_slice %arg4[%add3A_20, %dma_wait3A_63] : memref<1600x768xf32, #tpu.memory_space<hbm>> -> memref<40x768xf32, #tpu.memory_space<hbm>>
      tpu.wait_dma2 semaphore(%arg15 : memref<!tpu.dma_semaphore, #tpu.memory_space<semaphore_mem>>) src(%arg9 : memref<40x768xf32, #tpu.memory_space<vmem>>) dst(%dma_wait3A_64 : memref<40x768xf32, #tpu.memory_space<hbm>>)
    } else {
    }
    %ge3A = arith.constant 1600 : i32
    %ge3A_23 = arith.cmpi sge, %add3A_20, %ge3A : i32
    %convert_element_type3A_24 = arith.extui %ge3A_23 : i1 to i32
    %cond3A_25 = arith.constant 0 : i32
    %cond3A_26 = arith.cmpi ne, %convert_element_type3A_24, %cond3A_25 : i32
    scf.if %cond3A_26 {
      %sub3A = arith.constant 1600 : i32
      %sub3A_57 = arith.subi %add3A_20, %sub3A : i32
      %dma_start3A_58 = arith.constant 0 : i32
      %dma_start3A_59 = tpu.memref_slice %arg5[%sub3A_57, %dma_start3A_58] : memref<2240x768xf32, #tpu.memory_space<hbm>> -> memref<40x768xf32, #tpu.memory_space<hbm>>
      %dma_start3A_60 = arith.constant 0 : i32
      %dma_start3A_61 = tpu.memref_slice %arg5[%sub3A_57, %dma_start3A_60] : memref<2240x768xf32, #tpu.memory_space<hbm>> -> memref<40x768xf32, #tpu.memory_space<hbm>>
      tpu.enqueue_dma source(%arg9 : memref<40x768xf32, #tpu.memory_space<vmem>>) target(%dma_start3A_61 : memref<40x768xf32, #tpu.memory_space<hbm>>) target_semaphore(%arg15 : memref<!tpu.dma_semaphore, #tpu.memory_space<semaphore_mem>>)
      %dma_wait3A_62 = arith.constant 0 : i32
      %dma_wait3A_63 = tpu.memref_slice %arg5[%sub3A_57, %dma_wait3A_62] : memref<2240x768xf32, #tpu.memory_space<hbm>> -> memref<40x768xf32, #tpu.memory_space<hbm>>
      %dma_wait3A_64 = arith.constant 0 : i32
      %dma_wait3A_65 = tpu.memref_slice %arg5[%sub3A_57, %dma_wait3A_64] : memref<2240x768xf32, #tpu.memory_space<hbm>> -> memref<40x768xf32, #tpu.memory_space<hbm>>
      tpu.wait_dma2 semaphore(%arg15 : memref<!tpu.dma_semaphore, #tpu.memory_space<semaphore_mem>>) src(%arg9 : memref<40x768xf32, #tpu.memory_space<vmem>>) dst(%dma_wait3A_65 : memref<40x768xf32, #tpu.memory_space<hbm>>)
    } else {
    }
    %dma_wait3A_27 = arith.constant 0 : i32
    %dma_wait3A_28 = arith.constant 0 : i32
    %dma_wait3A_29 = tpu.memref_slice %arg2[%dma_wait3A_27, %dma_wait3A_28] : memref<1433x768xf32, #tpu.memory_space<hbm>> -> memref<1433x768xf32, #tpu.memory_space<hbm>>
    tpu.wait_indirect_dma semaphore(%arg13 : memref<!tpu.dma_semaphore, #tpu.memory_space<semaphore_mem>>) src(%dma_wait3A_29 : memref<1433x768xf32, #tpu.memory_space<hbm>>) dst(%arg10 : memref<40x768xf32, #tpu.memory_space<vmem>>)
    %add3A_30 = arith.constant 40 : i32
    %add3A_31 = arith.addi %mul3A_2, %add3A_30 : i32
    %lt3A_32 = arith.constant 1600 : i32
    %lt3A_33 = arith.cmpi slt, %add3A_31, %lt3A_32 : i32
    %convert_element_type3A_34 = arith.extui %lt3A_33 : i1 to i32
    %cond3A_35 = arith.constant 0 : i32
    %cond3A_36 = arith.cmpi ne, %convert_element_type3A_34, %cond3A_35 : i32
    scf.if %cond3A_36 {
      %dma_start3A_57 = arith.constant 0 : i32
      %dma_start3A_58 = tpu.memref_slice %arg4[%add3A_31, %dma_start3A_57] : memref<1600x768xf32, #tpu.memory_space<hbm>> -> memref<40x768xf32, #tpu.memory_space<hbm>>
      %dma_start3A_59 = arith.constant 0 : i32
      %dma_start3A_60 = tpu.memref_slice %arg4[%add3A_31, %dma_start3A_59] : memref<1600x768xf32, #tpu.memory_space<hbm>> -> memref<40x768xf32, #tpu.memory_space<hbm>>
      tpu.enqueue_dma source(%arg10 : memref<40x768xf32, #tpu.memory_space<vmem>>) target(%dma_start3A_60 : memref<40x768xf32, #tpu.memory_space<hbm>>) target_semaphore(%arg15 : memref<!tpu.dma_semaphore, #tpu.memory_space<semaphore_mem>>)
      %dma_wait3A_61 = arith.constant 0 : i32
      %dma_wait3A_62 = tpu.memref_slice %arg4[%add3A_31, %dma_wait3A_61] : memref<1600x768xf32, #tpu.memory_space<hbm>> -> memref<40x768xf32, #tpu.memory_space<hbm>>
      %dma_wait3A_63 = arith.constant 0 : i32
      %dma_wait3A_64 = tpu.memref_slice %arg4[%add3A_31, %dma_wait3A_63] : memref<1600x768xf32, #tpu.memory_space<hbm>> -> memref<40x768xf32, #tpu.memory_space<hbm>>
      tpu.wait_dma2 semaphore(%arg15 : memref<!tpu.dma_semaphore, #tpu.memory_space<semaphore_mem>>) src(%arg10 : memref<40x768xf32, #tpu.memory_space<vmem>>) dst(%dma_wait3A_64 : memref<40x768xf32, #tpu.memory_space<hbm>>)
    } else {
    }
    %ge3A_37 = arith.constant 1600 : i32
    %ge3A_38 = arith.cmpi sge, %add3A_31, %ge3A_37 : i32
    %convert_element_type3A_39 = arith.extui %ge3A_38 : i1 to i32
    %cond3A_40 = arith.constant 0 : i32
    %cond3A_41 = arith.cmpi ne, %convert_element_type3A_39, %cond3A_40 : i32
    scf.if %cond3A_41 {
      %sub3A = arith.constant 1600 : i32
      %sub3A_57 = arith.subi %add3A_31, %sub3A : i32
      %dma_start3A_58 = arith.constant 0 : i32
      %dma_start3A_59 = tpu.memref_slice %arg5[%sub3A_57, %dma_start3A_58] : memref<2240x768xf32, #tpu.memory_space<hbm>> -> memref<40x768xf32, #tpu.memory_space<hbm>>
      %dma_start3A_60 = arith.constant 0 : i32
      %dma_start3A_61 = tpu.memref_slice %arg5[%sub3A_57, %dma_start3A_60] : memref<2240x768xf32, #tpu.memory_space<hbm>> -> memref<40x768xf32, #tpu.memory_space<hbm>>
      tpu.enqueue_dma source(%arg10 : memref<40x768xf32, #tpu.memory_space<vmem>>) target(%dma_start3A_61 : memref<40x768xf32, #tpu.memory_space<hbm>>) target_semaphore(%arg15 : memref<!tpu.dma_semaphore, #tpu.memory_space<semaphore_mem>>)
      %dma_wait3A_62 = arith.constant 0 : i32
      %dma_wait3A_63 = tpu.memref_slice %arg5[%sub3A_57, %dma_wait3A_62] : memref<2240x768xf32, #tpu.memory_space<hbm>> -> memref<40x768xf32, #tpu.memory_space<hbm>>
      %dma_wait3A_64 = arith.constant 0 : i32
      %dma_wait3A_65 = tpu.memref_slice %arg5[%sub3A_57, %dma_wait3A_64] : memref<2240x768xf32, #tpu.memory_space<hbm>> -> memref<40x768xf32, #tpu.memory_space<hbm>>
      tpu.wait_dma2 semaphore(%arg15 : memref<!tpu.dma_semaphore, #tpu.memory_space<semaphore_mem>>) src(%arg10 : memref<40x768xf32, #tpu.memory_space<vmem>>) dst(%dma_wait3A_65 : memref<40x768xf32, #tpu.memory_space<hbm>>)
    } else {
    }
    %dma_wait3A_42 = arith.constant 0 : i32
    %dma_wait3A_43 = arith.constant 0 : i32
    %dma_wait3A_44 = tpu.memref_slice %arg2[%dma_wait3A_42, %dma_wait3A_43] : memref<1433x768xf32, #tpu.memory_space<hbm>> -> memref<1433x768xf32, #tpu.memory_space<hbm>>
    tpu.wait_indirect_dma semaphore(%arg14 : memref<!tpu.dma_semaphore, #tpu.memory_space<semaphore_mem>>) src(%dma_wait3A_44 : memref<1433x768xf32, #tpu.memory_space<hbm>>) dst(%arg11 : memref<40x768xf32, #tpu.memory_space<vmem>>)
    %add3A_45 = arith.constant 80 : i32
    %add3A_46 = arith.addi %mul3A_2, %add3A_45 : i32
    %lt3A_47 = arith.constant 1600 : i32
    %lt3A_48 = arith.cmpi slt, %add3A_46, %lt3A_47 : i32
    %convert_element_type3A_49 = arith.extui %lt3A_48 : i1 to i32
    %cond3A_50 = arith.constant 0 : i32
    %cond3A_51 = arith.cmpi ne, %convert_element_type3A_49, %cond3A_50 : i32
    scf.if %cond3A_51 {
      %dma_start3A_57 = arith.constant 0 : i32
      %dma_start3A_58 = tpu.memref_slice %arg4[%add3A_46, %dma_start3A_57] : memref<1600x768xf32, #tpu.memory_space<hbm>> -> memref<40x768xf32, #tpu.memory_space<hbm>>
      %dma_start3A_59 = arith.constant 0 : i32
      %dma_start3A_60 = tpu.memref_slice %arg4[%add3A_46, %dma_start3A_59] : memref<1600x768xf32, #tpu.memory_space<hbm>> -> memref<40x768xf32, #tpu.memory_space<hbm>>
      tpu.enqueue_dma source(%arg11 : memref<40x768xf32, #tpu.memory_space<vmem>>) target(%dma_start3A_60 : memref<40x768xf32, #tpu.memory_space<hbm>>) target_semaphore(%arg15 : memref<!tpu.dma_semaphore, #tpu.memory_space<semaphore_mem>>)
      %dma_wait3A_61 = arith.constant 0 : i32
      %dma_wait3A_62 = tpu.memref_slice %arg4[%add3A_46, %dma_wait3A_61] : memref<1600x768xf32, #tpu.memory_space<hbm>> -> memref<40x768xf32, #tpu.memory_space<hbm>>
      %dma_wait3A_63 = arith.constant 0 : i32
      %dma_wait3A_64 = tpu.memref_slice %arg4[%add3A_46, %dma_wait3A_63] : memref<1600x768xf32, #tpu.memory_space<hbm>> -> memref<40x768xf32, #tpu.memory_space<hbm>>
      tpu.wait_dma2 semaphore(%arg15 : memref<!tpu.dma_semaphore, #tpu.memory_space<semaphore_mem>>) src(%arg11 : memref<40x768xf32, #tpu.memory_space<vmem>>) dst(%dma_wait3A_64 : memref<40x768xf32, #tpu.memory_space<hbm>>)
    } else {
    }
    %ge3A_52 = arith.constant 1600 : i32
    %ge3A_53 = arith.cmpi sge, %add3A_46, %ge3A_52 : i32
    %convert_element_type3A_54 = arith.extui %ge3A_53 : i1 to i32
    %cond3A_55 = arith.constant 0 : i32
    %cond3A_56 = arith.cmpi ne, %convert_element_type3A_54, %cond3A_55 : i32
    scf.if %cond3A_56 {
      %sub3A = arith.constant 1600 : i32
      %sub3A_57 = arith.subi %add3A_46, %sub3A : i32
      %dma_start3A_58 = arith.constant 0 : i32
      %dma_start3A_59 = tpu.memref_slice %arg5[%sub3A_57, %dma_start3A_58] : memref<2240x768xf32, #tpu.memory_space<hbm>> -> memref<40x768xf32, #tpu.memory_space<hbm>>
      %dma_start3A_60 = arith.constant 0 : i32
      %dma_start3A_61 = tpu.memref_slice %arg5[%sub3A_57, %dma_start3A_60] : memref<2240x768xf32, #tpu.memory_space<hbm>> -> memref<40x768xf32, #tpu.memory_space<hbm>>
      tpu.enqueue_dma source(%arg11 : memref<40x768xf32, #tpu.memory_space<vmem>>) target(%dma_start3A_61 : memref<40x768xf32, #tpu.memory_space<hbm>>) target_semaphore(%arg15 : memref<!tpu.dma_semaphore, #tpu.memory_space<semaphore_mem>>)
      %dma_wait3A_62 = arith.constant 0 : i32
      %dma_wait3A_63 = tpu.memref_slice %arg5[%sub3A_57, %dma_wait3A_62] : memref<2240x768xf32, #tpu.memory_space<hbm>> -> memref<40x768xf32, #tpu.memory_space<hbm>>
      %dma_wait3A_64 = arith.constant 0 : i32
      %dma_wait3A_65 = tpu.memref_slice %arg5[%sub3A_57, %dma_wait3A_64] : memref<2240x768xf32, #tpu.memory_space<hbm>> -> memref<40x768xf32, #tpu.memory_space<hbm>>
      tpu.wait_dma2 semaphore(%arg15 : memref<!tpu.dma_semaphore, #tpu.memory_space<semaphore_mem>>) src(%arg11 : memref<40x768xf32, #tpu.memory_space<vmem>>) dst(%dma_wait3A_65 : memref<40x768xf32, #tpu.memory_space<hbm>>)
    } else {
    }
    return
  }
}

module attributes {stable_mosaic.version = 14 : i64} {
  func.func @_temporal_body(%arg0: i32, %arg1: i32, %arg2: memref<1x64x4x768xf32, #tpu.memory_space<vmem>>, %arg3: memref<1x64x4xi32, #tpu.memory_space<vmem>>, %arg4: memref<1x1x768xf32, #tpu.memory_space<vmem>>, %arg5: memref<8x768xf32, #tpu.memory_space<vmem>>, %arg6: memref<1x64x5x768xf32, #tpu.memory_space<vmem>>) attributes {dimension_semantics = [#tpu.dimension_semantics<arbitrary>, #tpu.dimension_semantics<arbitrary>], iteration_bounds = array<i64: 8, 8>, scalar_prefetch = 0 : i64, scratch_operands = 0 : i64, tpu.core_type = #tpu.core_type<tc>, window_params = [{transform_indices = @transform_0, window_bounds = array<i64: 1, 64, 4, 768>}, {transform_indices = @transform_1, window_bounds = array<i64: 1, 64, 4>}, {pipeline_mode = #tpu.pipeline_mode<synchronous>, transform_indices = @transform_2, window_bounds = array<i64: 1, 1, 768>}, {pipeline_mode = #tpu.pipeline_mode<synchronous>, transform_indices = @transform_3, window_bounds = array<i64: 8, 768>}, {transform_indices = @transform_4, window_bounds = array<i64: 1, 64, 5, 768>}]} {
    %get3A = arith.constant 0 : index
    %get3A_0 = arith.constant 0 : index
    %get3A_1 = arith.constant 0 : index
    %get3A_2 = arith.constant 0 : index
    %get3A_3 = vector.load %arg2[%get3A, %get3A_0, %get3A_1, %get3A_2] : memref<1x64x4x768xf32, #tpu.memory_space<vmem>>, vector<1x64x4x768xf32>
    %get3A_4 = vector.shape_cast %get3A_3 : vector<1x64x4x768xf32> to vector<64x4x768xf32>
    %get3A_5 = arith.constant 0 : index
    %get3A_6 = arith.constant 0 : index
    %get3A_7 = arith.constant 0 : index
    %get3A_8 = vector.load %arg3[%get3A_5, %get3A_6, %get3A_7] : memref<1x64x4xi32, #tpu.memory_space<vmem>>, vector<1x64x4xi32>
    %get3A_9 = vector.shape_cast %get3A_8 : vector<1x64x4xi32> to vector<64x4xi32>
    %get3A_10 = arith.constant 0 : index
    %get3A_11 = arith.constant 0 : index
    %get3A_12 = arith.constant 0 : index
    %get3A_13 = vector.load %arg4[%get3A_10, %get3A_11, %get3A_12] : memref<1x1x768xf32, #tpu.memory_space<vmem>>, vector<1x1x768xf32>
    %get3A_14 = vector.shape_cast %get3A_13 : vector<1x1x768xf32> to vector<1x768xf32>
    %get3A_15 = arith.constant 0 : index
    %get3A_16 = arith.constant 0 : index
    %get3A_17 = vector.load %arg5[%get3A_15, %get3A_16] : memref<8x768xf32, #tpu.memory_space<vmem>>, vector<8x768xf32>
    %slice3A = vector.extract_strided_slice %get3A_4 {offsets = [0, 0, 0], sizes = [64, 1, 768], strides = [1, 1, 1]} : vector<64x4x768xf32> to vector<64x1x768xf32>
    %squeeze3A = vector.shape_cast %slice3A : vector<64x1x768xf32> to vector<64x768xf32>
    %slice3A_18 = vector.extract_strided_slice %get3A_17 {offsets = [0, 0], sizes = [1, 768], strides = [1, 1]} : vector<8x768xf32> to vector<1x768xf32>
    %squeeze3A_19 = vector.shape_cast %slice3A_18 : vector<1x768xf32> to vector<768xf32>
    %broadcast_in_dim3A = vector.shape_cast %squeeze3A_19 : vector<768xf32> to vector<1x768xf32>
    %add3A = vector.broadcast %broadcast_in_dim3A : vector<1x768xf32> to vector<64x768xf32>
    %add3A_20 = arith.addf %squeeze3A, %add3A : vector<64x768xf32>
    %swap3A = arith.constant 0 : index
    %swap3A_21 = arith.constant 0 : index
    %swap3A_22 = arith.constant 0 : index
    %swap3A_23 = arith.constant 0 : index
    %swap3A_24 = vector.load %arg6[%swap3A, %swap3A_21, %swap3A_22, %swap3A_23] : memref<1x64x5x768xf32, #tpu.memory_space<vmem>>, vector<1x64x1x768xf32>
    %swap3A_25 = vector.shape_cast %swap3A_24 : vector<1x64x1x768xf32> to vector<64x768xf32>
    %swap3A_26 = vector.shape_cast %add3A_20 : vector<64x768xf32> to vector<1x64x1x768xf32>
    tpu.vector_store %arg6[%swap3A, %swap3A_21, %swap3A_22, %swap3A_23], %swap3A_26 {strides = array<i32>} : memref<1x64x5x768xf32, #tpu.memory_space<vmem>>, vector<1x64x1x768xf32>,
    %slice3A_27 = vector.extract_strided_slice %get3A_4 {offsets = [0, 1, 0], sizes = [64, 1, 768], strides = [1, 1, 1]} : vector<64x4x768xf32> to vector<64x1x768xf32>
    %squeeze3A_28 = vector.shape_cast %slice3A_27 : vector<64x1x768xf32> to vector<64x768xf32>
    %slice3A_29 = vector.extract_strided_slice %get3A_4 {offsets = [0, 2, 0], sizes = [64, 1, 768], strides = [1, 1, 1]} : vector<64x4x768xf32> to vector<64x1x768xf32>
    %squeeze3A_30 = vector.shape_cast %slice3A_29 : vector<64x1x768xf32> to vector<64x768xf32>
    %slice3A_31 = vector.extract_strided_slice %get3A_4 {offsets = [0, 3, 0], sizes = [64, 1, 768], strides = [1, 1, 1]} : vector<64x4x768xf32> to vector<64x1x768xf32>
    %squeeze3A_32 = vector.shape_cast %slice3A_31 : vector<64x1x768xf32> to vector<64x768xf32>
    %slice3A_33 = vector.extract_strided_slice %get3A_9 {offsets = [0, 0], sizes = [64, 1], strides = [1, 1]} : vector<64x4xi32> to vector<64x1xi32>
    %squeeze3A_34 = vector.shape_cast %slice3A_33 : vector<64x1xi32> to vector<64xi32>
    %broadcast_in_dim3A_35 = vector.shape_cast %squeeze3A_34 : vector<64xi32> to vector<64x1xi32>
    %eq3A = arith.constant 1 : i32
    %eq3A_36 = vector.broadcast %eq3A : i32 to vector<64x1xi32>
    %eq3A_37 = arith.cmpi eq, %broadcast_in_dim3A_35, %eq3A_36 : vector<64x1xi32>
    %broadcast_in_dim3A_38 = vector.shape_cast %eq3A_37 : vector<64x1xi1> to vector<64x1xi1>
    %broadcast_in_dim3A_39 = vector.broadcast %broadcast_in_dim3A_38 : vector<64x1xi1> to vector<64x768xi1>
    %select_n3A = arith.select %broadcast_in_dim3A_39, %squeeze3A_30, %squeeze3A_28 : vector<64x768xi1>, vector<64x768xf32>
    %eq3A_40 = arith.constant 2 : i32
    %eq3A_41 = vector.broadcast %eq3A_40 : i32 to vector<64x1xi32>
    %eq3A_42 = arith.cmpi eq, %broadcast_in_dim3A_35, %eq3A_41 : vector<64x1xi32>
    %broadcast_in_dim3A_43 = vector.shape_cast %eq3A_42 : vector<64x1xi1> to vector<64x1xi1>
    %broadcast_in_dim3A_44 = vector.broadcast %broadcast_in_dim3A_43 : vector<64x1xi1> to vector<64x768xi1>
    %select_n3A_45 = arith.select %broadcast_in_dim3A_44, %squeeze3A_32, %select_n3A : vector<64x768xi1>, vector<64x768xf32>
    %ge3A = arith.constant 3 : i32
    %ge3A_46 = vector.broadcast %ge3A : i32 to vector<64x1xi32>
    %ge3A_47 = arith.cmpi sge, %broadcast_in_dim3A_35, %ge3A_46 : vector<64x1xi32>
    %broadcast_in_dim3A_48 = vector.shape_cast %ge3A_47 : vector<64x1xi1> to vector<64x1xi1>
    %broadcast_in_dim3A_49 = vector.broadcast %broadcast_in_dim3A_48 : vector<64x1xi1> to vector<64x768xi1>
    %broadcast_in_dim3A_50 = vector.shape_cast %get3A_14 : vector<1x768xf32> to vector<1x768xf32>
    %broadcast_in_dim3A_51 = vector.broadcast %broadcast_in_dim3A_50 : vector<1x768xf32> to vector<64x768xf32>
    %select_n3A_52 = arith.select %broadcast_in_dim3A_49, %broadcast_in_dim3A_51, %select_n3A_45 : vector<64x768xi1>, vector<64x768xf32>
    %slice3A_53 = vector.extract_strided_slice %get3A_17 {offsets = [1, 0], sizes = [1, 768], strides = [1, 1]} : vector<8x768xf32> to vector<1x768xf32>
    %squeeze3A_54 = vector.shape_cast %slice3A_53 : vector<1x768xf32> to vector<768xf32>
    %broadcast_in_dim3A_55 = vector.shape_cast %squeeze3A_54 : vector<768xf32> to vector<1x768xf32>
    %add3A_56 = vector.broadcast %broadcast_in_dim3A_55 : vector<1x768xf32> to vector<64x768xf32>
    %add3A_57 = arith.addf %select_n3A_52, %add3A_56 : vector<64x768xf32>
    %swap3A_58 = arith.constant 0 : index
    %swap3A_59 = arith.constant 0 : index
    %swap3A_60 = arith.constant 1 : index
    %swap3A_61 = arith.constant 0 : index
    %swap3A_62 = vector.load %arg6[%swap3A_58, %swap3A_59, %swap3A_60, %swap3A_61] : memref<1x64x5x768xf32, #tpu.memory_space<vmem>>, vector<1x64x1x768xf32>
    %swap3A_63 = vector.shape_cast %swap3A_62 : vector<1x64x1x768xf32> to vector<64x768xf32>
    %swap3A_64 = vector.shape_cast %add3A_57 : vector<64x768xf32> to vector<1x64x1x768xf32>
    tpu.vector_store %arg6[%swap3A_58, %swap3A_59, %swap3A_60, %swap3A_61], %swap3A_64 {strides = array<i32>} : memref<1x64x5x768xf32, #tpu.memory_space<vmem>>, vector<1x64x1x768xf32>,
    %slice3A_65 = vector.extract_strided_slice %get3A_9 {offsets = [0, 1], sizes = [64, 1], strides = [1, 1]} : vector<64x4xi32> to vector<64x1xi32>
    %squeeze3A_66 = vector.shape_cast %slice3A_65 : vector<64x1xi32> to vector<64xi32>
    %broadcast_in_dim3A_67 = vector.shape_cast %squeeze3A_66 : vector<64xi32> to vector<64x1xi32>
    %eq3A_68 = arith.constant 1 : i32
    %eq3A_69 = vector.broadcast %eq3A_68 : i32 to vector<64x1xi32>
    %eq3A_70 = arith.cmpi eq, %broadcast_in_dim3A_67, %eq3A_69 : vector<64x1xi32>
    %broadcast_in_dim3A_71 = vector.shape_cast %eq3A_70 : vector<64x1xi1> to vector<64x1xi1>
    %broadcast_in_dim3A_72 = vector.broadcast %broadcast_in_dim3A_71 : vector<64x1xi1> to vector<64x768xi1>
    %select_n3A_73 = arith.select %broadcast_in_dim3A_72, %squeeze3A_30, %squeeze3A_28 : vector<64x768xi1>, vector<64x768xf32>
    %eq3A_74 = arith.constant 2 : i32
    %eq3A_75 = vector.broadcast %eq3A_74 : i32 to vector<64x1xi32>
    %eq3A_76 = arith.cmpi eq, %broadcast_in_dim3A_67, %eq3A_75 : vector<64x1xi32>
    %broadcast_in_dim3A_77 = vector.shape_cast %eq3A_76 : vector<64x1xi1> to vector<64x1xi1>
    %broadcast_in_dim3A_78 = vector.broadcast %broadcast_in_dim3A_77 : vector<64x1xi1> to vector<64x768xi1>
    %select_n3A_79 = arith.select %broadcast_in_dim3A_78, %squeeze3A_32, %select_n3A_73 : vector<64x768xi1>, vector<64x768xf32>
    %ge3A_80 = arith.constant 3 : i32
    %ge3A_81 = vector.broadcast %ge3A_80 : i32 to vector<64x1xi32>
    %ge3A_82 = arith.cmpi sge, %broadcast_in_dim3A_67, %ge3A_81 : vector<64x1xi32>
    %broadcast_in_dim3A_83 = vector.shape_cast %ge3A_82 : vector<64x1xi1> to vector<64x1xi1>
    %broadcast_in_dim3A_84 = vector.broadcast %broadcast_in_dim3A_83 : vector<64x1xi1> to vector<64x768xi1>
    %broadcast_in_dim3A_85 = vector.shape_cast %get3A_14 : vector<1x768xf32> to vector<1x768xf32>
    %broadcast_in_dim3A_86 = vector.broadcast %broadcast_in_dim3A_85 : vector<1x768xf32> to vector<64x768xf32>
    %select_n3A_87 = arith.select %broadcast_in_dim3A_84, %broadcast_in_dim3A_86, %select_n3A_79 : vector<64x768xi1>, vector<64x768xf32>
    %slice3A_88 = vector.extract_strided_slice %get3A_17 {offsets = [2, 0], sizes = [1, 768], strides = [1, 1]} : vector<8x768xf32> to vector<1x768xf32>
    %squeeze3A_89 = vector.shape_cast %slice3A_88 : vector<1x768xf32> to vector<768xf32>
    %broadcast_in_dim3A_90 = vector.shape_cast %squeeze3A_89 : vector<768xf32> to vector<1x768xf32>
    %add3A_91 = vector.broadcast %broadcast_in_dim3A_90 : vector<1x768xf32> to vector<64x768xf32>
    %add3A_92 = arith.addf %select_n3A_87, %add3A_91 : vector<64x768xf32>
    %swap3A_93 = arith.constant 0 : index
    %swap3A_94 = arith.constant 0 : index
    %swap3A_95 = arith.constant 2 : index
    %swap3A_96 = arith.constant 0 : index
    %swap3A_97 = vector.load %arg6[%swap3A_93, %swap3A_94, %swap3A_95, %swap3A_96] : memref<1x64x5x768xf32, #tpu.memory_space<vmem>>, vector<1x64x1x768xf32>
    %swap3A_98 = vector.shape_cast %swap3A_97 : vector<1x64x1x768xf32> to vector<64x768xf32>
    %swap3A_99 = vector.shape_cast %add3A_92 : vector<64x768xf32> to vector<1x64x1x768xf32>
    tpu.vector_store %arg6[%swap3A_93, %swap3A_94, %swap3A_95, %swap3A_96], %swap3A_99 {strides = array<i32>} : memref<1x64x5x768xf32, #tpu.memory_space<vmem>>, vector<1x64x1x768xf32>,
    %slice3A_100 = vector.extract_strided_slice %get3A_9 {offsets = [0, 2], sizes = [64, 1], strides = [1, 1]} : vector<64x4xi32> to vector<64x1xi32>
    %squeeze3A_101 = vector.shape_cast %slice3A_100 : vector<64x1xi32> to vector<64xi32>
    %broadcast_in_dim3A_102 = vector.shape_cast %squeeze3A_101 : vector<64xi32> to vector<64x1xi32>
    %eq3A_103 = arith.constant 1 : i32
    %eq3A_104 = vector.broadcast %eq3A_103 : i32 to vector<64x1xi32>
    %eq3A_105 = arith.cmpi eq, %broadcast_in_dim3A_102, %eq3A_104 : vector<64x1xi32>
    %broadcast_in_dim3A_106 = vector.shape_cast %eq3A_105 : vector<64x1xi1> to vector<64x1xi1>
    %broadcast_in_dim3A_107 = vector.broadcast %broadcast_in_dim3A_106 : vector<64x1xi1> to vector<64x768xi1>
    %select_n3A_108 = arith.select %broadcast_in_dim3A_107, %squeeze3A_30, %squeeze3A_28 : vector<64x768xi1>, vector<64x768xf32>
    %eq3A_109 = arith.constant 2 : i32
    %eq3A_110 = vector.broadcast %eq3A_109 : i32 to vector<64x1xi32>
    %eq3A_111 = arith.cmpi eq, %broadcast_in_dim3A_102, %eq3A_110 : vector<64x1xi32>
    %broadcast_in_dim3A_112 = vector.shape_cast %eq3A_111 : vector<64x1xi1> to vector<64x1xi1>
    %broadcast_in_dim3A_113 = vector.broadcast %broadcast_in_dim3A_112 : vector<64x1xi1> to vector<64x768xi1>
    %select_n3A_114 = arith.select %broadcast_in_dim3A_113, %squeeze3A_32, %select_n3A_108 : vector<64x768xi1>, vector<64x768xf32>
    %ge3A_115 = arith.constant 3 : i32
    %ge3A_116 = vector.broadcast %ge3A_115 : i32 to vector<64x1xi32>
    %ge3A_117 = arith.cmpi sge, %broadcast_in_dim3A_102, %ge3A_116 : vector<64x1xi32>
    %broadcast_in_dim3A_118 = vector.shape_cast %ge3A_117 : vector<64x1xi1> to vector<64x1xi1>
    %broadcast_in_dim3A_119 = vector.broadcast %broadcast_in_dim3A_118 : vector<64x1xi1> to vector<64x768xi1>
    %broadcast_in_dim3A_120 = vector.shape_cast %get3A_14 : vector<1x768xf32> to vector<1x768xf32>
    %broadcast_in_dim3A_121 = vector.broadcast %broadcast_in_dim3A_120 : vector<1x768xf32> to vector<64x768xf32>
    %select_n3A_122 = arith.select %broadcast_in_dim3A_119, %broadcast_in_dim3A_121, %select_n3A_114 : vector<64x768xi1>, vector<64x768xf32>
    %slice3A_123 = vector.extract_strided_slice %get3A_17 {offsets = [3, 0], sizes = [1, 768], strides = [1, 1]} : vector<8x768xf32> to vector<1x768xf32>
    %squeeze3A_124 = vector.shape_cast %slice3A_123 : vector<1x768xf32> to vector<768xf32>
    %broadcast_in_dim3A_125 = vector.shape_cast %squeeze3A_124 : vector<768xf32> to vector<1x768xf32>
    %add3A_126 = vector.broadcast %broadcast_in_dim3A_125 : vector<1x768xf32> to vector<64x768xf32>
    %add3A_127 = arith.addf %select_n3A_122, %add3A_126 : vector<64x768xf32>
    %swap3A_128 = arith.constant 0 : index
    %swap3A_129 = arith.constant 0 : index
    %swap3A_130 = arith.constant 3 : index
    %swap3A_131 = arith.constant 0 : index
    %swap3A_132 = vector.load %arg6[%swap3A_128, %swap3A_129, %swap3A_130, %swap3A_131] : memref<1x64x5x768xf32, #tpu.memory_space<vmem>>, vector<1x64x1x768xf32>
    %swap3A_133 = vector.shape_cast %swap3A_132 : vector<1x64x1x768xf32> to vector<64x768xf32>
    %swap3A_134 = vector.shape_cast %add3A_127 : vector<64x768xf32> to vector<1x64x1x768xf32>
    tpu.vector_store %arg6[%swap3A_128, %swap3A_129, %swap3A_130, %swap3A_131], %swap3A_134 {strides = array<i32>} : memref<1x64x5x768xf32, #tpu.memory_space<vmem>>, vector<1x64x1x768xf32>,
    %slice3A_135 = vector.extract_strided_slice %get3A_9 {offsets = [0, 3], sizes = [64, 1], strides = [1, 1]} : vector<64x4xi32> to vector<64x1xi32>
    %squeeze3A_136 = vector.shape_cast %slice3A_135 : vector<64x1xi32> to vector<64xi32>
    %broadcast_in_dim3A_137 = vector.shape_cast %squeeze3A_136 : vector<64xi32> to vector<64x1xi32>
    %eq3A_138 = arith.constant 1 : i32
    %eq3A_139 = vector.broadcast %eq3A_138 : i32 to vector<64x1xi32>
    %eq3A_140 = arith.cmpi eq, %broadcast_in_dim3A_137, %eq3A_139 : vector<64x1xi32>
    %broadcast_in_dim3A_141 = vector.shape_cast %eq3A_140 : vector<64x1xi1> to vector<64x1xi1>
    %broadcast_in_dim3A_142 = vector.broadcast %broadcast_in_dim3A_141 : vector<64x1xi1> to vector<64x768xi1>
    %select_n3A_143 = arith.select %broadcast_in_dim3A_142, %squeeze3A_30, %squeeze3A_28 : vector<64x768xi1>, vector<64x768xf32>
    %eq3A_144 = arith.constant 2 : i32
    %eq3A_145 = vector.broadcast %eq3A_144 : i32 to vector<64x1xi32>
    %eq3A_146 = arith.cmpi eq, %broadcast_in_dim3A_137, %eq3A_145 : vector<64x1xi32>
    %broadcast_in_dim3A_147 = vector.shape_cast %eq3A_146 : vector<64x1xi1> to vector<64x1xi1>
    %broadcast_in_dim3A_148 = vector.broadcast %broadcast_in_dim3A_147 : vector<64x1xi1> to vector<64x768xi1>
    %select_n3A_149 = arith.select %broadcast_in_dim3A_148, %squeeze3A_32, %select_n3A_143 : vector<64x768xi1>, vector<64x768xf32>
    %ge3A_150 = arith.constant 3 : i32
    %ge3A_151 = vector.broadcast %ge3A_150 : i32 to vector<64x1xi32>
    %ge3A_152 = arith.cmpi sge, %broadcast_in_dim3A_137, %ge3A_151 : vector<64x1xi32>
    %broadcast_in_dim3A_153 = vector.shape_cast %ge3A_152 : vector<64x1xi1> to vector<64x1xi1>
    %broadcast_in_dim3A_154 = vector.broadcast %broadcast_in_dim3A_153 : vector<64x1xi1> to vector<64x768xi1>
    %broadcast_in_dim3A_155 = vector.shape_cast %get3A_14 : vector<1x768xf32> to vector<1x768xf32>
    %broadcast_in_dim3A_156 = vector.broadcast %broadcast_in_dim3A_155 : vector<1x768xf32> to vector<64x768xf32>
    %select_n3A_157 = arith.select %broadcast_in_dim3A_154, %broadcast_in_dim3A_156, %select_n3A_149 : vector<64x768xi1>, vector<64x768xf32>
    %swap3A_158 = arith.constant 0 : index
    %swap3A_159 = arith.constant 0 : index
    %swap3A_160 = arith.constant 4 : index
    %swap3A_161 = arith.constant 0 : index
    %swap3A_162 = vector.load %arg6[%swap3A_158, %swap3A_159, %swap3A_160, %swap3A_161] : memref<1x64x5x768xf32, #tpu.memory_space<vmem>>, vector<1x64x1x768xf32>
    %swap3A_163 = vector.shape_cast %swap3A_162 : vector<1x64x1x768xf32> to vector<64x768xf32>
    %swap3A_164 = vector.shape_cast %select_n3A_157 : vector<64x768xf32> to vector<1x64x1x768xf32>
    tpu.vector_store %arg6[%swap3A_158, %swap3A_159, %swap3A_160, %swap3A_161], %swap3A_164 {strides = array<i32>} : memref<1x64x5x768xf32, #tpu.memory_space<vmem>>, vector<1x64x1x768xf32>,
    return
  }
  func.func @transform_0(%arg0: i32, %arg1: i32) -> (i32, i32, i32, i32) {
    %c0_i32 = arith.constant 0 : i32
    %c0_i32_0 = arith.constant 0 : i32
    %c0_i32_1 = arith.constant 0 : i32
    return %arg0, %arg1, %c0_i32, %c0_i32_0 : i32, i32, i32, i32
  }
  func.func @transform_1(%arg0: i32, %arg1: i32) -> (i32, i32, i32) {
    %c0_i32 = arith.constant 0 : i32
    %c0_i32_0 = arith.constant 0 : i32
    return %arg0, %arg1, %c0_i32 : i32, i32, i32
  }
  func.func @transform_2(%arg0: i32, %arg1: i32) -> (i32, i32, i32) {
    %c0_i32 = arith.constant 0 : i32
    %c0_i32_0 = arith.constant 0 : i32
    %c0_i32_1 = arith.constant 0 : i32
    %c0_i32_2 = arith.constant 0 : i32
    return %c0_i32, %c0_i32_0, %c0_i32_1 : i32, i32, i32
  }
  func.func @transform_3(%arg0: i32, %arg1: i32) -> (i32, i32) {
    %c0_i32 = arith.constant 0 : i32
    %c0_i32_0 = arith.constant 0 : i32
    %c0_i32_1 = arith.constant 0 : i32
    return %c0_i32, %c0_i32_0 : i32, i32
  }
  func.func @transform_4(%arg0: i32, %arg1: i32) -> (i32, i32, i32, i32) {
    %c0_i32 = arith.constant 0 : i32
    %c0_i32_0 = arith.constant 0 : i32
    %c0_i32_1 = arith.constant 0 : i32
    return %arg0, %arg1, %c0_i32, %c0_i32_0 : i32, i32, i32, i32
  }
}

module attributes {stable_mosaic.version = 14 : i64} {
  func.func @body(%arg0: i32, %arg1: memref<1x200x768xf32, #tpu.memory_space<vmem>>, %arg2: memref<197x768xf32, #tpu.memory_space<vmem>>, %arg3: memref<1x197x768xf32, #tpu.memory_space<vmem>>) attributes {dimension_semantics = [#tpu.dimension_semantics<arbitrary>], iteration_bounds = array<i64: 8>, scalar_prefetch = 0 : i64, scratch_operands = 0 : i64, tpu.core_type = #tpu.core_type<tc>, window_params = [{transform_indices = @transform_0, window_bounds = array<i64: 1, 200, 768>}, {pipeline_mode = #tpu.pipeline_mode<synchronous>, transform_indices = @transform_1, window_bounds = array<i64: 197, 768>}, {transform_indices = @transform_2, window_bounds = array<i64: 1, 197, 768>}]} {
    %get3A = arith.constant 0 : index
    %get3A_0 = arith.constant 0 : index
    %get3A_1 = arith.constant 0 : index
    %get3A_2 = vector.load %arg1[%get3A, %get3A_0, %get3A_1] : memref<1x200x768xf32, #tpu.memory_space<vmem>>, vector<1x197x768xf32>
    %get3A_3 = vector.shape_cast %get3A_2 : vector<1x197x768xf32> to vector<197x768xf32>
    %get3A_4 = arith.constant 0 : index
    %get3A_5 = arith.constant 0 : index
    %get3A_6 = vector.load %arg2[%get3A_4, %get3A_5] : memref<197x768xf32, #tpu.memory_space<vmem>>, vector<197x768xf32>
    %add3A = arith.addf %get3A_3, %get3A_6 : vector<197x768xf32>
    %swap3A = arith.constant 0 : index
    %swap3A_7 = arith.constant 0 : index
    %swap3A_8 = arith.constant 0 : index
    %swap3A_9 = vector.load %arg3[%swap3A, %swap3A_7, %swap3A_8] : memref<1x197x768xf32, #tpu.memory_space<vmem>>, vector<1x197x768xf32>
    %swap3A_10 = vector.shape_cast %swap3A_9 : vector<1x197x768xf32> to vector<197x768xf32>
    %swap3A_11 = vector.shape_cast %add3A : vector<197x768xf32> to vector<1x197x768xf32>
    tpu.vector_store %arg3[%swap3A, %swap3A_7, %swap3A_8], %swap3A_11 {strides = array<i32>} : memref<1x197x768xf32, #tpu.memory_space<vmem>>, vector<1x197x768xf32>,
    return
  }
  func.func @transform_0(%arg0: i32) -> (i32, i32, i32) {
    %c0_i32 = arith.constant 0 : i32
    %c0_i32_0 = arith.constant 0 : i32
    %c0_i32_1 = arith.constant 0 : i32
    return %arg0, %c0_i32, %c0_i32_0 : i32, i32, i32
  }
  func.func @transform_1(%arg0: i32) -> (i32, i32) {
    %c0_i32 = arith.constant 0 : i32
    %c0_i32_0 = arith.constant 0 : i32
    %c0_i32_1 = arith.constant 0 : i32
    return %c0_i32, %c0_i32_0 : i32, i32
  }
  func.func @transform_2(%arg0: i32) -> (i32, i32, i32) {
    %c0_i32 = arith.constant 0 : i32
    %c0_i32_0 = arith.constant 0 : i32
    %c0_i32_1 = arith.constant 0 : i32
    return %arg0, %c0_i32, %c0_i32_0 : i32, i32, i32
  }
}

module attributes {stable_mosaic.version = 14 : i64} {
  func.func @body(%arg0: i32, %arg1: memref<1x264x768xf32, #tpu.memory_space<vmem>>, %arg2: memref<257x768xf32, #tpu.memory_space<vmem>>, %arg3: memref<1x257x768xf32, #tpu.memory_space<vmem>>) attributes {dimension_semantics = [#tpu.dimension_semantics<arbitrary>], iteration_bounds = array<i64: 8>, scalar_prefetch = 0 : i64, scratch_operands = 0 : i64, tpu.core_type = #tpu.core_type<tc>, window_params = [{transform_indices = @transform_0, window_bounds = array<i64: 1, 264, 768>}, {pipeline_mode = #tpu.pipeline_mode<synchronous>, transform_indices = @transform_1, window_bounds = array<i64: 257, 768>}, {transform_indices = @transform_2, window_bounds = array<i64: 1, 257, 768>}]} {
    %get3A = arith.constant 0 : index
    %get3A_0 = arith.constant 0 : index
    %get3A_1 = arith.constant 0 : index
    %get3A_2 = vector.load %arg1[%get3A, %get3A_0, %get3A_1] : memref<1x264x768xf32, #tpu.memory_space<vmem>>, vector<1x257x768xf32>
    %get3A_3 = vector.shape_cast %get3A_2 : vector<1x257x768xf32> to vector<257x768xf32>
    %get3A_4 = arith.constant 0 : index
    %get3A_5 = arith.constant 0 : index
    %get3A_6 = vector.load %arg2[%get3A_4, %get3A_5] : memref<257x768xf32, #tpu.memory_space<vmem>>, vector<257x768xf32>
    %add3A = arith.addf %get3A_3, %get3A_6 : vector<257x768xf32>
    %swap3A = arith.constant 0 : index
    %swap3A_7 = arith.constant 0 : index
    %swap3A_8 = arith.constant 0 : index
    %swap3A_9 = vector.load %arg3[%swap3A, %swap3A_7, %swap3A_8] : memref<1x257x768xf32, #tpu.memory_space<vmem>>, vector<1x257x768xf32>
    %swap3A_10 = vector.shape_cast %swap3A_9 : vector<1x257x768xf32> to vector<257x768xf32>
    %swap3A_11 = vector.shape_cast %add3A : vector<257x768xf32> to vector<1x257x768xf32>
    tpu.vector_store %arg3[%swap3A, %swap3A_7, %swap3A_8], %swap3A_11 {strides = array<i32>} : memref<1x257x768xf32, #tpu.memory_space<vmem>>, vector<1x257x768xf32>,
    return
  }
  func.func @transform_0(%arg0: i32) -> (i32, i32, i32) {
    %c0_i32 = arith.constant 0 : i32
    %c0_i32_0 = arith.constant 0 : i32
    %c0_i32_1 = arith.constant 0 : i32
    return %arg0, %c0_i32, %c0_i32_0 : i32, i32, i32
  }
  func.func @transform_1(%arg0: i32) -> (i32, i32) {
    %c0_i32 = arith.constant 0 : i32
    %c0_i32_0 = arith.constant 0 : i32
    %c0_i32_1 = arith.constant 0 : i32
    return %c0_i32, %c0_i32_0 : i32, i32
  }
  func.func @transform_2(%arg0: i32) -> (i32, i32, i32) {
    %c0_i32 = arith.constant 0 : i32
    %c0_i32_0 = arith.constant 0 : i32
    %c0_i32_1 = arith.constant 0 : i32
    return %arg0, %c0_i32, %c0_i32_0 : i32, i32, i32
  }
}

</mosaic_0001>

<sc_bundles>
// kernel: gather_offload_async_start
scs
__scs_entry_jumppad:
0x0: {  	(pc) =	sbr.rel $0x88, $3  }
0x1: {  	(tag) =	ssettag $0x0;
	lr =	simm.s32 $0x1  }
0x2: {  	[smem:$0x3F96] =	sst lr;
	_ =	strace $0xD0000000  }
0x3: {  	_ = 	snop  }
0x4: {  	_ = 	snop  }
0x5: {  	_ = 	snop  }
0x6: {  	_ = 	snop  }
0x7: {  	_ = 	snop  }
__scs_overlays_trampoline_lowered:
0x8: {  	[smem:$0x3FA5] =	sst s0  }
0x9: {  	[smem:$0x3FA6] =	sst s1  }
0xa: {  	[smem:$0x3FA7] =	sst s2  }
0xb: {  	[smem:$0x3FA8] =	sst s3  }
0xc: {  	[smem:$0x3FA9] =	sst s4  }
0xd: {  	[smem:$0x3FAA] =	sst s5  }
0xe: {  	[smem:$0x3FAB] =	sst s6  }
0xf: {  	[smem:$0x3FAC] =	sst s7  }
0x10: {  	[smem:$0x3FAD] =	sst s8  }
0x11: {  	[smem:$0x3FAE] =	sst s9;
	s0 =	simm.s32 @!p0 $0x0  }
0x12: {  	s1 =	sld [smem:$0x3F94];
	s0 =	simm.s32 @p0 $0x1  }
0x13: {  	[smem:$0x3FAF] =	sst s0;
	s0 =	simm.s32 @!p1 $0x0  }
0x14: {  	s2 =	sld [smem:$0x3F93];
	s0 =	simm.s32 @p1 $0x1  }
0x15: {  	[smem:$0x3FB0] =	sst s0;
	s0 =	simm.s32 @!p2 $0x0  }
0x16: {  	s3 =	sld [smem:$0x3FDB];
	s0 =	simm.s32 @p2 $0x1  }
0x17: {  	s4 =	simm.s32 $0x1BF5;
	[smem:$0x3FB2] =	sst s0  }
0x18: {  	s0 =	sld [smem:$0x3F95];
	_ =	swait.ge [sflag:s4], $0x0  }
0x19: {  	s7 =	sld [smem:$0x3F96]  }
0x1a: {  	s8 =	sadd.s32 $0xFFFFE003, lr  }
0x1b: {  	s9 =	sadd.s32 $0xFFFFFEF7, lr;
	s5 =	simm.s32 $0xFFFFFFFF;
	p2 =	slt.u32 s8, $0xFFFFF086  }
0x1c: {  	p1 =	slt.u32 s9, $0xF7A;
	s5 =	simm.s32 @!p2 $0x0  }
0x1d: {  	s5 =	simm.s32 @p1 $0x1;
	p0 =	seq.s32 s7, s2  }
0x1e: {  	s7 =	smul.u32 @!p0 $0xF7A, s2;
	p2 =	seq.s32 @!p0 s5, $0x0  }
0x1f: {  	s9 =	smul.u32 $0xF7A, s1;
	s8 =	simm.s32 @!p0 $0x1BF5;
	p2 =	por !p2, p0  }
0x20: {  	[sflag:s8] =	ssyncset.s32 @!p0 $0xFFFFF086;
	s6 =	sadd.s32 @!p0 s3, s7;
	s7 =	simm.s32 @!p0 $0x108  }
0x21: {  	s3 =	sadd.s32 s3, s9;
	s6 =	sadd.s32 @!p0 $0x88, s6;
	s7 =	simm.s32 @p2 $0x1082  }
0x22: {  	[simem:s7], [sflag:s8] =	dma.local @!p0 [hbm:s6], $0xF7A  }
0x23: {  	s9 =	sor.u32 $0xD0000000, s2;
	s6 =	simm.s32 $0x108;
	_ =	swait.ge @!p0 [sflag:s8], $0x0  }
0x24: {  	s3 =	sadd.s32 $0x88, s3;
	s6 =	simm.s32 @!p1 $0x1082;
	[sflag:s4] =	ssyncset.s32 $0xFFFFF086  }
0x25: {  	[simem:s6], [sflag:s4] =	dma.local [hbm:s3], $0xF7A  }
0x26: {  	[smem:$0x3F96] =	sst s1;
	(tag) =	ssettag s2;
	_ =	strace s9  }
0x27: {  	s1 =	sld [smem:$0x3FA6]  }
0x28: {  	s2 =	sld [smem:$0x3FA7]  }
0x29: {  	s4 =	sld [smem:$0x3FA9]  }
0x2a: {  	p0 =	seq.s32 s5, $0x0;
	s5 =	sld [smem:$0x3FAA]  }
0x2b: {  	s6 =	sld [smem:$0x3FAB]  }
0x2c: {  	s7 =	sld [smem:$0x3FAC]  }
0x2d: {  	s3 =	simm.s32 $0x108;
	s8 =	sld [smem:$0x3FAD]  }
0x2e: {  	s3 =	simm.s32 @!p0 $0x1082;
	s9 =	sld [smem:$0x3FAE]  }
0x2f: {  	lr =	sadd.s32 s0, s3;
	s0 =	sld [smem:$0x3FA5]  }
0x30: {  	s3 =	sld [smem:$0x3FA8]  }
0x31: {  	[smem:$0x3FB1] =	sst s10  }
0x32: {  	s10 =	sld [smem:$0x3FAF];
	_ =	sdelay $0x3  }
0x33: {  	p0 =	seq.s32 s10, $0x1;
	s10 =	sld [smem:$0x3FB1];
	_ =	sdelay $0x3  }
0x34: {  	[smem:$0x3FB1] =	sst s10  }
0x35: {  	s10 =	sld [smem:$0x3FB0];
	_ =	sdelay $0x3  }
0x36: {  	p1 =	seq.s32 s10, $0x1;
	s10 =	sld [smem:$0x3FB1];
	_ =	sdelay $0x3  }
0x37: {  	[smem:$0x3FB1] =	sst s10  }
0x38: {  	s10 =	sld [smem:$0x3FB2]  }
0x39: {  	_ = 	snop;
	(pc) =	sbr.ind lr, $3  }
0x3a: {  	_ = 	snop  }
0x3b: {  	_ = 	snop  }
0x3c: {  	p2 =	seq.s32 s10, $0x1;
	s10 =	sld [smem:$0x3FB1]  }
0x3d: {  	_ =	shalt  }
0x3e: {  	_ =	shalt  }
0x3f: {  	_ =	shalt  }
0x40: {  	_ =	shalt  }
0x41: {  	_ =	shalt  }
0x42: {  	_ =	shalt  }
0x43: {  	_ =	shalt  }
0x44: {  	_ =	shalt  }
0x45: {  	_ =	shalt  }
0x46: {  	_ =	shalt  }
0x47: {  	_ =	shalt  }
0x48: {  	_ =	shalt  }
0x49: {  	_ =	shalt  }
0x4a: {  	_ =	shalt  }
0x4b: {  	_ =	shalt  }
0x4c: {  	_ =	shalt  }
0x4d: {  	_ =	shalt  }
0x4e: {  	_ =	shalt  }
0x4f: {  	_ =	shalt  }
0x50: {  	_ =	shalt  }
0x51: {  	_ =	shalt  }
0x52: {  	_ =	shalt  }
0x53: {  	_ =	shalt  }
0x54: {  	_ =	shalt  }
0x55: {  	_ =	shalt  }
0x56: {  	_ =	shalt  }
0x57: {  	_ =	shalt  }
0x58: {  	_ =	shalt  }
0x59: {  	_ =	shalt  }
0x5a: {  	_ =	shalt  }
0x5b: {  	_ =	shalt  }
0x5c: {  	_ =	shalt  }
0x5d: {  	_ =	shalt  }
0x5e: {  	_ =	shalt  }
0x5f: {  	_ =	shalt  }
0x60: {  	_ =	shalt  }
0x61: {  	_ =	shalt  }
0x62: {  	_ =	shalt  }
0x63: {  	_ =	shalt  }
0x64: {  	_ =	shalt  }
0x65: {  	_ =	shalt  }
0x66: {  	_ =	shalt  }
0x67: {  	_ =	shalt  }
0x68: {  	_ =	shalt  }
0x69: {  	_ =	shalt  }
0x6a: {  	_ =	shalt  }
0x6b: {  	_ =	shalt  }
0x6c: {  	_ =	shalt  }
0x6d: {  	_ =	shalt  }
0x6e: {  	_ =	shalt  }
0x6f: {  	_ =	shalt  }
0x70: {  	_ =	shalt  }
0x71: {  	_ =	shalt  }
0x72: {  	_ =	shalt  }
0x73: {  	_ =	shalt  }
0x74: {  	_ =	shalt  }
0x75: {  	_ =	shalt  }
0x76: {  	_ =	shalt  }
0x77: {  	_ =	shalt  }
0x78: {  	_ =	shalt  }
0x79: {  	_ =	shalt  }
0x7a: {  	_ =	shalt  }
0x7b: {  	_ =	shalt  }
0x7c: {  	_ =	shalt  }
0x7d: {  	_ =	shalt  }
0x7e: {  	_ =	shalt  }
0x7f: {  	_ =	shalt  }
0x80: {  	_ =	shalt  }
0x81: {  	_ =	shalt  }
0x82: {  	_ =	shalt  }
0x83: {  	_ =	shalt  }
0x84: {  	_ =	shalt  }
0x85: {  	_ =	shalt  }
0x86: {  	_ =	shalt  }
0x87: {  	_ =	shalt  }
.Lfunc_end0:
.L_simem_size_0:
called_computation_lowered:
.L_overlay_start_0:
0x88: {  	s2 =	sld [smem:$0x3FD9]  }
0x89: {  	s3 =	sld [smem:$0x3FFE];
	_ =	sdelay $0x1  }
0x8a: {  	s1 =	srdreg.scid  }
0x8b: {  	s0 =	sand.u32 $0x1, s1  }
0x8c: {  	s15 =	sshll.u32 s0, $0xA;
	s2 =	sadd.s32 s3, s2  }
0x8d: {  	s2 =	sadd.s32 s2, s15  }
0x8e: {  	[smem:$0x3FBD] =	sst s2  }
0x8f: {  	_ = 	snop  }
0x90: {  	s2 =	sld [smem:$0x3FD0];
	_ =	sdelay $0x2  }
0x91: {  	s4 =	simm.s32 $0xA;
	s5 =	simm.s32 $0x10;
	s16 =	sld [smem:$0x3FC3]  }
0x92: {  	[smem:s5], [sflag:s4] =	dma.local [hbm:s2], $0x1  }
0x93: {  	_ =	swait.eq [sflag:s4], $0x1  }
0x94: {  	[sflag:s4] =	ssyncset.done $0x0  }
0x95: {  	s17 =	sld [smem:$0x10];
	[sflag:s4] =	ssyncadd.s32 $0xFFFFFFFF  }
0x96: {  	s18 =	sld [smem:$0x12];
	(tm) =	ssettm $0x1  }
0x97: {  	s19 =	sld [smem:$0x3FFB];
	_ =	sdelay $0x3  }
0x98: {  	_ =	strace s19  }
0x99: {  	s5 =	sld [smem:$0x3FFC];
	_ =	sdelay $0x3  }
0x9a: {  	_ =	strace s5  }
0x9b: {  	s5 =	sld [smem:$0x3FFD];
	_ =	sdelay $0x3  }
0x9c: {  	_ =	strace s5  }
0x9d: {  	_ =	strace $0x8FFFFFFF  }
0x9e: {  	s20 =	sld [smem:$0x3FDB];
	_ =	sdelay $0x1  }
0x9f: {  	s6 =	simm.s32 $_scs_section_size  }
0xa0: {  	s7 =	simm.s32 $_size__tile_overlayer_lowered;
	s8 =	simm.s32 $_tile_overlayer_lowered  }
0xa1: {  	s23 =	simm.s32 $0x1BFF;
	s22 =	sshll.u32 s8, $0x1;
	s5 =	sadd.s32 s6, s20  }
0xa2: {  	s9 =	simm.s32 $0x0;
	s21 =	sshll.u32 s7, $0x1;
	s7 =	sadd.s32 s22, s5  }
0xa3: {  	[timem:s9], [sflag:s23] =	dma.local [hbm:s7], s21  }
0xa4: {  	_ =	swait.ge [sflag:s23], s21  }
0xa5: {  	s6 =	ssub.s32 $0x0, s21;
	[sflag:s23] =	ssyncset.done $0x0  }
0xa6: {  	[sflag:s23] =	ssyncadd.s32 s6;
	_ =	sdelay $0x1  }
0xa7: {  	s24 =	simm.s32 $0x1B8B  }
0xa8: {  	_ =	swait.ge [sflag:s24], $0x1  }
0xa9: {  	[sflag:s24] =	ssyncset.done $0x0  }
0xaa: {  	s25 =	simm.s32 $0x1B8E;
	[sflag:s24] =	ssyncadd.s32 $0xFFFFFFFF  }
0xab: {  	s26 =	simm.s32 $execute0_lowered;
	[smem:$0x3FD2] =	sst s25  }
0xac: {  	s6 =	sshll.u32 s26, $0x1;
	_ =	strace $0x80000046;
	[dreg:$0x1] =	wrdreg $0xFFFFFFFF  }
0xad: {  	s28 =	simm.s32 $_size_execute0_lowered;
	s5 =	sadd.s32 s5, s6;
	[dreg:$0x0] =	wrdreg $0x0  }
0xae: {  	s6 =	sshll.u32 s28, $0x1;
	[dreg:$0x2] =	wrdreg s5  }
0xaf: {  	[dreg:$0x3] =	wrdreg s6  }
0xb0: {  	[dreg:$0x4] =	wrdreg $0xC0  }
0xb1: {  	_ =	task [dreg:s9], $0x5FFFF  }
0xb2: {  	[dreg:$0x1] =	wrdreg $0xFFFFFFFF  }
0xb3: {  	[dreg:$0x0] =	wrdreg $0x60  }
0xb4: {  	[dreg:$0x2] =	wrdreg s16  }
0xb5: {  	[dreg:$0x3] =	wrdreg s18  }
0xb6: {  	[dreg:$0x4] =	wrdreg s17  }
0xb7: {  	[dreg:$0x5] =	wrdreg $0x9  }
0xb8: {  	_ =	task.clear_ibuf [dreg:s9], $0x6FFFF;
	_ =	strace $0x90000046  }
0xb9: {  	s29 =	simm.s32 $0x9;
	_ =	strace $0x80000048  }
0xba: {  	_ =	swait.ge [sflag:s29], $0x1  }
0xbb: {  	[sflag:s29] =	ssyncadd.s32 $0xFFFFFFFF  }
0xbc: {  	_ =	strace $0x90000048  }
0xbd: {  	_ =	sfence  }
0xbe: {  	s30 =	sld [smem:$0x0];
	_ =	sdelay $0x2  }
0xbf: {  	s31 =	sshll.u32 s1, $0xD;
	s1 =	sshrl.u32 s1, $0x2  }
0xc0: {  	s3 =	sand.u32 $0x4000, s31;
	s1 =	sadd.s32 s1, s30  }
0xc1: {  	s0 =	sor.u32 s3, s0;
	s1 =	sshll.u32 s1, $0x11  }
0xc2: {  	s0 =	sor.u32 s1, s0  }
0xc3: {  	s0 =	sadd.s32 $0x8F2B, s0  }
0xc4: {  	[sflag:s0] =	ssyncadd.remote.s32 $0x1  }
0xc5: {  	_ =	sfence.sel $0xFFFF  }
0xc6: {  	[dreg:$0x0] =	wrdreg $0xFFFFFFFF;
	(pc) =	sbr.abs _section_cstart, $3  }
0xc7: {  	[dreg:$0x1] =	wrdreg $0xFFFFFFFF  }
0xc8: {  	_ =	task.clear_ibuf [dreg:s9], $0x2FFFF;
	_ =	strace $0x9FFFFFFF  }
0xc9: {  	(tm) =	ssettm $0x7FFFFFFF  }
tec
execute0_lowered:
.L_overlay_start_1:
0x0: {  	(tag) =	ssettag $0x1  }
0x1: {  	s2 =	rddreg [dreg:$0x0]  }
0x2: {  	s1 =	srdreg.scid;
	s3 =	rddreg [dreg:$0x1]  }
0x3: {  	s0 =	stileid.u32;
	s4 =	rddreg [dreg:$0x2];
	s1 =	sshll.u32 s1, $0x5  }
0x4: {  	s6 =	simm.s32 $0x1;
	s5 =	sshll.u32 s0, $0x6;
	s1 =	sand.u32 $0x20, s1  }
0x5: {  	s9 =	simm.s32 $0x1;
	s10 =	simm.s32 $0x3;
	s5 =	sor.u32 s5, s1  }
0x6: {  	s13 =	simm.s32 $0x0;
	s1 =	rddreg [dreg:$0x3];
	s8 =	ssub.s32 $0x800, s5  }
.Ltmp0:
0x7: {  	_ =	strace $0x80000047;
	s7 =	sand.u32 $0x3E0, s8;
	(pc) =	sbr.rel .LBB2_1-.Ltmp0, $4  }
0x8: {  	s12 =	simm.s32 $0x0;
	[sflag:s6] =	ssyncpa.u1 $0x0;
	p0 =	sne.s32 s7, $0x0  }
0x9: {  	s8 =	sshrl.u32 s8, $0xA;
	s7 =	simm.s32 $0x2;
	s9 =	simm.s32 @!p0 $0x0  }
0xa: {  	s11 =	smov.u32 s5;
	[sflag:s7] =	ssyncpa.u1 $0x0;
	s8 =	sadd.s32 s9, s8  }
0xb: {  	vm0 =	vmmov $0xffff;
	[sflag:s10] =	ssyncpa.u1 $0x0;
	s10 =	simm.s32 $0x0;
	s9 =	sadd.s32 $0x1, s8  }
.LBB2_5:
0xc: {  	s15 =	sadd.s32 $0x400, s11  }
0xd: {  	p1 =	sgt.s32 s15, $0x7FF  }
0xe: {  	s15 =	smov.u32 @p1 s5;
	p1 =	sne.s32 s12, s9  }
.Ltmp1:
0xf: {  	p0 =	slt.u32 s12, $0x2;
	(pc) =	sbr.rel @!p1 .LBB2_6-.Ltmp1, $4  }
0x10: {  	s14 =	simm.s32 @!p0 $0x3  }
0x11: {  	_ =	swait.ge @!p0 [sflag:s14], $0x20  }
0x12: {  	s16 =	sadd.s32 $0x1, s12;
	s13 =	smov.u32 s11;
	[sflag:s14] =	ssyncset.done @!p0 $0x0  }
0x13: {  	s12 =	smov.u32 s16;
	s11 =	smov.u32 s15;
	[sflag:s14] =	ssyncadd.s32 @!p0 $0xFFFFFFE0  }
.LBB2_1:
0x14: {  	p0 =	sge.u32 s12, s8  }
0x15: {  	s14 =	sxor.u32 @!p0 $0xFFFFFFFF, s12  }
0x16: {  	s31 =	sadd.s32 $0xFFFFFFFF, s12;
	s15 =	sshrl.u32 @!p0 s11, $0x3;
	s14 =	sshll.u32 @!p0 s14, $0x5  }
0x17: {  	s16 =	sand.u32 @!p0 $0x7, s11;
	s15 =	sadd.s32 @!p0 s3, s15;
	s14 =	sand.u32 @!p0 $0x20, s14  }
0x18: {  	[tilespmem:s14], [sflag:$0x2] =	stream.linear.gather @!p0 [hbm4b:s15+s16], $0x20, $0x38;
	[tilespmem:$0x80] =	vst v63  }
0x19: {  	p0 =	sge.u32 s31, s8  }
.Ltmp2:
0x1a: {  	_ = 	snop;
	(pc) =	sbr.rel @p0 .LBB2_5-.Ltmp2, $1  }
0x1b: {  	_ =	sdelay $0x3  }
0x1c: {  	_ =	swait.ge [sflag:s7], $0x20;
	s14 =	sshll.u32 s12, $0x5;
	s16 =	simm.s32 $0x0  }
0x1d: {  	p0 =	por $0x1, $0x1;
	[sflag:s7] =	ssyncset.done $0x0;
	s15 =	sand.u32 $0x20, s14  }
0x1e: {  	[sflag:s7] =	ssyncadd.s32 $0xFFFFFFE0;
	(ifvalue) =	ssetifvalue $0x7FFFFFFF;
	s14 =	sor.u32 $0x40, s15  }
.LBB2_3:
0x1f: {  	s17 =	sadd.s32 s16, s15  }
0x20: {  	v0 =	vld.msk [tilespmem:s17+$0x0 ss:$0x1], $0xffff;
	_ =	sdelay $0x4  }
0x21: {  	v1 =	vshrl.u32 v0, $0x3  }
0x22: {  	vm1 =	veq.s32 v0, $0x80000000;
	v1 =	vand.u32 $0xFF, v1  }
0x23: {  	v0 =	vand.u32 $0x7, v0;
	v1 =	vsel vm1, $0xFFFFFFFF, v1  }
0x24: {  	v0 =	vsel vm1, $0xFFFFFFFF, v0;
	v2 =	vshll.u32 v1, $0x3  }
0x25: {  	v3 =	vand.u32 $0xFFFFF800, v0;
	v0 =	vshll.u32 v0, $0x7;
	v2 =	vand.u32 $0xFFFFFC00, v2  }
0x26: {  	v0 =	vand.u32 $0x380, v0;
	v2 =	vadd.s32 v3, v2  }
0x27: {  	v1 =	vand.u32 $0x7F, v1;
	v0 =	vor.u32 v0, v2  }
0x28: {  	p1 =	por p0, p0;
	v0 =	vor.u32 v1, v0  }
.Ltmp3:
0x29: {  	_ = 	snop;
	(pc) =	sbr.rel @p1 .LBB2_3-.Ltmp3, $4  }
0x2a: {  	_ = 	snop  }
0x2b: {  	s31 =	sadd.s32 s16, s14  }
0x2c: {  	s16 =	simm.s32 $0x10;
	p0 =	por $0x0, $0x0;
	(ifvalue) =	ssetifvalue $0x7FFFFFFF  }
0x2d: {  	[tilespmem:s31], [sflag:$0x1] =	stream.indirect_vreg.gather [hbm4b:s2+s10], $0x1, v0, vm0, $0x4038;
	[tilespmem:$0x80] =	vst v63  }
.Ltmp4:
0x2e: {  	(pc) =	sbr.rel .LBB2_5-.Ltmp4, $4  }
0x2f: {  	_ =	swait.ge [sflag:s6], $0x20  }
0x30: {  	s15 =	sshrl.u32 s13, $0x3;
	[sflag:s6] =	ssyncset.done $0x0  }
0x31: {  	s31 =	sand.u32 $0x7, s13;
	s15 =	sadd.s32 s4, s15;
	[sflag:s6] =	ssyncadd.s32 $0xFFFFFFE0  }
0x32: {  	[hbm4b:s15+s31] =	stream.linear.scatter [tilespmem:s14], [sflag:$0x3], $0x20, $0x38;
	[tilespmem:$0x80] =	vst v63  }
.LBB2_6:
0x33: {  	_ =	sfence.sel $0x180000  }
0x34: {  	s2 =	simm.s32 $0x2;
	[bflag:$0x0] =	sbarrier.arrive $0xFFFF  }
0x35: {  	s30 =	simm.s32 $0x3;
	[sflag:s2] =	ssyncpa.u1 $0x1  }
0x36: {  	s31 =	simm.s32 $0x1;
	[sflag:s30] =	ssyncpa.u1 $0x1  }
0x37: {  	[sflag:s31] =	ssyncpa.u1 $0x1  }
0x38: {  	p0 =	sne.s32 s0, $0x0;
	_ =	strace $0x90000047  }
0x39: {  	s0 =	sadd.s32 @!p0 $0x100000, s1;
	[bflag:$0x2] =	sbarrier.arrive $0xFFFF  }
0x3a: {  	[sflag:s0] =	ssyncadd.tile.s32 @!p0 $0x1;
	_ =	shalt  }
.Lfunc_end2:
_tile_overlayer_lowered:
.L_overlay_start_2:
0x3b: {  	(tag) =	ssettag $0x2  }
0x3c: {  	s0 =	rddreg [dreg:$0x0];
	s2 =	stileid.u32  }
0x3d: {  	s1 =	rddreg [dreg:$0x1];
	p0 =	sne.s32 s2, $0x0  }
0x3e: {  	s3 =	rddreg [dreg:$0x2];
	[bflag:$0x3] =	sbarrier.arrive $0xFFFF;
	s2 =	simm.s32 @!p0 $0x1C01  }
0x3f: {  	[timem:s3], [sflag:s2] =	dma.local @!p0 [hbm:s0], s1  }
0x40: {  	s0 =	simm.s32 @!p0 $0x1  }
0x41: {  	_ =	swait.ge @!p0 [sflag:s0], s1  }
0x42: {  	s1 =	ssub.s32 @!p0 $0x0, s1;
	[sflag:s0] =	ssyncset.done @!p0 $0x0  }
0x43: {  	[sflag:s0] =	ssyncadd.s32 @!p0 s1  }
0x44: {  	[bflag:$0x3] =	sbarrier.arrive $0xFFFF  }
0x45: {  	_ =	shalt  }

// kernel: kernel.6.cloned.1.call-start
scs
__scs_entry_jumppad:
0x0: {  	(pc) =	sbr.rel $0x88, $3  }
0x1: {  	(tag) =	ssettag $0x0;
	lr =	simm.s32 $0x1  }
0x2: {  	[smem:$0x3F96] =	sst lr;
	_ =	strace $0xD0000000  }
0x3: {  	_ = 	snop  }
0x4: {  	_ = 	snop  }
0x5: {  	_ = 	snop  }
0x6: {  	_ = 	snop  }
0x7: {  	_ = 	snop  }
__scs_overlays_trampoline_lowered:
0x8: {  	[smem:$0x3FA5] =	sst s0  }
0x9: {  	[smem:$0x3FA6] =	sst s1  }
0xa: {  	[smem:$0x3FA7] =	sst s2  }
0xb: {  	[smem:$0x3FA8] =	sst s3  }
0xc: {  	[smem:$0x3FA9] =	sst s4  }
0xd: {  	[smem:$0x3FAA] =	sst s5  }
0xe: {  	[smem:$0x3FAB] =	sst s6  }
0xf: {  	[smem:$0x3FAC] =	sst s7  }
0x10: {  	[smem:$0x3FAD] =	sst s8  }
0x11: {  	[smem:$0x3FAE] =	sst s9;
	s0 =	simm.s32 @!p0 $0x0  }
0x12: {  	s1 =	sld [smem:$0x3F94];
	s0 =	simm.s32 @p0 $0x1  }
0x13: {  	[smem:$0x3FAF] =	sst s0;
	s0 =	simm.s32 @!p1 $0x0  }
0x14: {  	s2 =	sld [smem:$0x3F93];
	s0 =	simm.s32 @p1 $0x1  }
0x15: {  	[smem:$0x3FB0] =	sst s0;
	s0 =	simm.s32 @!p2 $0x0  }
0x16: {  	s3 =	sld [smem:$0x3FDB];
	s0 =	simm.s32 @p2 $0x1  }
0x17: {  	s4 =	simm.s32 $0x1BF5;
	[smem:$0x3FB2] =	sst s0  }
0x18: {  	s0 =	sld [smem:$0x3F95];
	_ =	swait.ge [sflag:s4], $0x0  }
0x19: {  	s7 =	sld [smem:$0x3F96]  }
0x1a: {  	s8 =	sadd.s32 $0xFFFFE003, lr  }
0x1b: {  	s9 =	sadd.s32 $0xFFFFFEF7, lr;
	s5 =	simm.s32 $0xFFFFFFFF;
	p2 =	slt.u32 s8, $0xFFFFF086  }
0x1c: {  	p1 =	slt.u32 s9, $0xF7A;
	s5 =	simm.s32 @!p2 $0x0  }
0x1d: {  	s5 =	simm.s32 @p1 $0x1;
	p0 =	seq.s32 s7, s2  }
0x1e: {  	s7 =	smul.u32 @!p0 $0xF7A, s2;
	p2 =	seq.s32 @!p0 s5, $0x0  }
0x1f: {  	s9 =	smul.u32 $0xF7A, s1;
	s8 =	simm.s32 @!p0 $0x1BF5;
	p2 =	por !p2, p0  }
0x20: {  	[sflag:s8] =	ssyncset.s32 @!p0 $0xFFFFF086;
	s6 =	sadd.s32 @!p0 s3, s7;
	s7 =	simm.s32 @!p0 $0x108  }
0x21: {  	s3 =	sadd.s32 s3, s9;
	s6 =	sadd.s32 @!p0 $0x88, s6;
	s7 =	simm.s32 @p2 $0x1082  }
0x22: {  	[simem:s7], [sflag:s8] =	dma.local @!p0 [hbm:s6], $0xF7A  }
0x23: {  	s9 =	sor.u32 $0xD0000000, s2;
	s6 =	simm.s32 $0x108;
	_ =	swait.ge @!p0 [sflag:s8], $0x0  }
0x24: {  	s3 =	sadd.s32 $0x88, s3;
	s6 =	simm.s32 @!p1 $0x1082;
	[sflag:s4] =	ssyncset.s32 $0xFFFFF086  }
0x25: {  	[simem:s6], [sflag:s4] =	dma.local [hbm:s3], $0xF7A  }
0x26: {  	[smem:$0x3F96] =	sst s1;
	(tag) =	ssettag s2;
	_ =	strace s9  }
0x27: {  	s1 =	sld [smem:$0x3FA6]  }
0x28: {  	s2 =	sld [smem:$0x3FA7]  }
0x29: {  	s4 =	sld [smem:$0x3FA9]  }
0x2a: {  	p0 =	seq.s32 s5, $0x0;
	s5 =	sld [smem:$0x3FAA]  }
0x2b: {  	s6 =	sld [smem:$0x3FAB]  }
0x2c: {  	s7 =	sld [smem:$0x3FAC]  }
0x2d: {  	s3 =	simm.s32 $0x108;
	s8 =	sld [smem:$0x3FAD]  }
0x2e: {  	s3 =	simm.s32 @!p0 $0x1082;
	s9 =	sld [smem:$0x3FAE]  }
0x2f: {  	lr =	sadd.s32 s0, s3;
	s0 =	sld [smem:$0x3FA5]  }
0x30: {  	s3 =	sld [smem:$0x3FA8]  }
0x31: {  	[smem:$0x3FB1] =	sst s10  }
0x32: {  	s10 =	sld [smem:$0x3FAF];
	_ =	sdelay $0x3  }
0x33: {  	p0 =	seq.s32 s10, $0x1;
	s10 =	sld [smem:$0x3FB1];
	_ =	sdelay $0x3  }
0x34: {  	[smem:$0x3FB1] =	sst s10  }
0x35: {  	s10 =	sld [smem:$0x3FB0];
	_ =	sdelay $0x3  }
0x36: {  	p1 =	seq.s32 s10, $0x1;
	s10 =	sld [smem:$0x3FB1];
	_ =	sdelay $0x3  }
0x37: {  	[smem:$0x3FB1] =	sst s10  }
0x38: {  	s10 =	sld [smem:$0x3FB2]  }
0x39: {  	_ = 	snop;
	(pc) =	sbr.ind lr, $3  }
0x3a: {  	_ = 	snop  }
0x3b: {  	_ = 	snop  }
0x3c: {  	p2 =	seq.s32 s10, $0x1;
	s10 =	sld [smem:$0x3FB1]  }
0x3d: {  	_ =	shalt  }
0x3e: {  	_ =	shalt  }
0x3f: {  	_ =	shalt  }
0x40: {  	_ =	shalt  }
0x41: {  	_ =	shalt  }
0x42: {  	_ =	shalt  }
0x43: {  	_ =	shalt  }
0x44: {  	_ =	shalt  }
0x45: {  	_ =	shalt  }
0x46: {  	_ =	shalt  }
0x47: {  	_ =	shalt  }
0x48: {  	_ =	shalt  }
0x49: {  	_ =	shalt  }
0x4a: {  	_ =	shalt  }
0x4b: {  	_ =	shalt  }
0x4c: {  	_ =	shalt  }
0x4d: {  	_ =	shalt  }
0x4e: {  	_ =	shalt  }
0x4f: {  	_ =	shalt  }
0x50: {  	_ =	shalt  }
0x51: {  	_ =	shalt  }
0x52: {  	_ =	shalt  }
0x53: {  	_ =	shalt  }
0x54: {  	_ =	shalt  }
0x55: {  	_ =	shalt  }
0x56: {  	_ =	shalt  }
0x57: {  	_ =	shalt  }
0x58: {  	_ =	shalt  }
0x59: {  	_ =	shalt  }
0x5a: {  	_ =	shalt  }
0x5b: {  	_ =	shalt  }
0x5c: {  	_ =	shalt  }
0x5d: {  	_ =	shalt  }
0x5e: {  	_ =	shalt  }
0x5f: {  	_ =	shalt  }
0x60: {  	_ =	shalt  }
0x61: {  	_ =	shalt  }
0x62: {  	_ =	shalt  }
0x63: {  	_ =	shalt  }
0x64: {  	_ =	shalt  }
0x65: {  	_ =	shalt  }
0x66: {  	_ =	shalt  }
0x67: {  	_ =	shalt  }
0x68: {  	_ =	shalt  }
0x69: {  	_ =	shalt  }
0x6a: {  	_ =	shalt  }
0x6b: {  	_ =	shalt  }
0x6c: {  	_ =	shalt  }
0x6d: {  	_ =	shalt  }
0x6e: {  	_ =	shalt  }
0x6f: {  	_ =	shalt  }
0x70: {  	_ =	shalt  }
0x71: {  	_ =	shalt  }
0x72: {  	_ =	shalt  }
0x73: {  	_ =	shalt  }
0x74: {  	_ =	shalt  }
0x75: {  	_ =	shalt  }
0x76: {  	_ =	shalt  }
0x77: {  	_ =	shalt  }
0x78: {  	_ =	shalt  }
0x79: {  	_ =	shalt  }
0x7a: {  	_ =	shalt  }
0x7b: {  	_ =	shalt  }
0x7c: {  	_ =	shalt  }
0x7d: {  	_ =	shalt  }
0x7e: {  	_ =	shalt  }
0x7f: {  	_ =	shalt  }
0x80: {  	_ =	shalt  }
0x81: {  	_ =	shalt  }
0x82: {  	_ =	shalt  }
0x83: {  	_ =	shalt  }
0x84: {  	_ =	shalt  }
0x85: {  	_ =	shalt  }
0x86: {  	_ =	shalt  }
0x87: {  	_ =	shalt  }
.Lfunc_end0:
.L_simem_size_0:
called_computation.1_lowered:
.L_overlay_start_0:
0x88: {  	s2 =	sld [smem:$0x3FD9]  }
0x89: {  	s3 =	sld [smem:$0x3FFE];
	_ =	sdelay $0x1  }
0x8a: {  	s1 =	srdreg.scid  }
0x8b: {  	s0 =	sand.u32 $0x1, s1  }
0x8c: {  	s14 =	sshll.u32 s0, $0xA;
	s2 =	sadd.s32 s3, s2  }
0x8d: {  	s2 =	sadd.s32 s2, s14  }
0x8e: {  	[smem:$0x3FBD] =	sst s2  }
0x8f: {  	_ = 	snop  }
0x90: {  	s2 =	sld [smem:$0x3FD0];
	_ =	sdelay $0x2  }
0x91: {  	s15 =	simm.s32 $0xA;
	s4 =	simm.s32 $0x10  }
0x92: {  	[smem:s4], [sflag:s15] =	dma.local [hbm:s2], $0x1  }
0x93: {  	_ =	swait.eq [sflag:s15], $0x1  }
0x94: {  	[sflag:s15] =	ssyncset.done $0x0  }
0x95: {  	s16 =	sld [smem:$0x11];
	[sflag:s15] =	ssyncadd.s32 $0xFFFFFFFF  }
0x96: {  	s17 =	sld [smem:$0x12];
	(tm) =	ssettm $0x1  }
0x97: {  	s18 =	sld [smem:$0x3FFB];
	_ =	sdelay $0x3  }
0x98: {  	_ =	strace s18  }
0x99: {  	s4 =	sld [smem:$0x3FFC];
	_ =	sdelay $0x3  }
0x9a: {  	_ =	strace s4  }
0x9b: {  	s4 =	sld [smem:$0x3FFD];
	_ =	sdelay $0x3  }
0x9c: {  	_ =	strace s4  }
0x9d: {  	_ =	strace $0x8FFFFFFF  }
0x9e: {  	s19 =	sld [smem:$0x3FDB];
	_ =	sdelay $0x1  }
0x9f: {  	s5 =	simm.s32 $_scs_section_size  }
0xa0: {  	s6 =	simm.s32 $_size__tile_overlayer_lowered;
	s7 =	simm.s32 $_tile_overlayer_lowered  }
0xa1: {  	s22 =	simm.s32 $0x1BFF;
	s21 =	sshll.u32 s7, $0x1;
	s4 =	sadd.s32 s5, s19  }
0xa2: {  	s8 =	simm.s32 $0x0;
	s20 =	sshll.u32 s6, $0x1;
	s6 =	sadd.s32 s21, s4  }
0xa3: {  	[timem:s8], [sflag:s22] =	dma.local [hbm:s6], s20  }
0xa4: {  	_ =	swait.ge [sflag:s22], s20  }
0xa5: {  	s5 =	ssub.s32 $0x0, s20;
	[sflag:s22] =	ssyncset.done $0x0  }
0xa6: {  	[sflag:s22] =	ssyncadd.s32 s5;
	_ =	sdelay $0x1  }
0xa7: {  	s23 =	simm.s32 $0x1B8B  }
0xa8: {  	_ =	swait.ge [sflag:s23], $0x1  }
0xa9: {  	[sflag:s23] =	ssyncset.done $0x0  }
0xaa: {  	s25 =	simm.s32 $0x1B8E;
	s24 =	sld [smem:$0x3FFE];
	[sflag:s23] =	ssyncadd.s32 $0xFFFFFFFF  }
0xab: {  	s26 =	simm.s32 $execute0_lowered;
	[smem:$0x3FD2] =	sst s25  }
0xac: {  	s6 =	sshll.u32 s26, $0x1;
	_ =	strace $0x80000049;
	[dreg:$0x1] =	wrdreg $0xFFFFFFFF  }
0xad: {  	s28 =	simm.s32 $_size_execute0_lowered;
	s4 =	sadd.s32 s4, s6;
	[dreg:$0x0] =	wrdreg $0x0  }
0xae: {  	s6 =	sshll.u32 s28, $0x1;
	[dreg:$0x2] =	wrdreg s4  }
0xaf: {  	[dreg:$0x3] =	wrdreg s6  }
0xb0: {  	[dreg:$0x4] =	wrdreg $0xC0  }
0xb1: {  	_ =	task [dreg:s8], $0x5FFFF  }
0xb2: {  	[dreg:$0x1] =	wrdreg $0xFFFFFFFF  }
0xb3: {  	[dreg:$0x0] =	wrdreg $0x60  }
0xb4: {  	[dreg:$0x2] =	wrdreg s16  }
0xb5: {  	[dreg:$0x3] =	wrdreg s24  }
0xb6: {  	[dreg:$0x4] =	wrdreg s17  }
0xb7: {  	[dreg:$0x5] =	wrdreg $0x9  }
0xb8: {  	_ =	task.clear_ibuf [dreg:s8], $0x6FFFF;
	_ =	strace $0x90000049  }
0xb9: {  	s29 =	simm.s32 $0x9;
	_ =	strace $0x8000004B  }
0xba: {  	_ =	swait.ge [sflag:s29], $0x1  }
0xbb: {  	[sflag:s29] =	ssyncadd.s32 $0xFFFFFFFF  }
0xbc: {  	_ =	strace $0x9000004B  }
0xbd: {  	_ =	sfence  }
0xbe: {  	s30 =	sld [smem:$0x0];
	_ =	sdelay $0x2  }
0xbf: {  	s31 =	sshll.u32 s1, $0xD;
	s1 =	sshrl.u32 s1, $0x2  }
0xc0: {  	s3 =	sand.u32 $0x4000, s31;
	s1 =	sadd.s32 s1, s30  }
0xc1: {  	s0 =	sor.u32 s3, s0;
	s1 =	sshll.u32 s1, $0x11  }
0xc2: {  	s0 =	sor.u32 s1, s0  }
0xc3: {  	s0 =	sadd.s32 $0x8F2B, s0  }
0xc4: {  	[sflag:s0] =	ssyncadd.remote.s32 $0x1  }
0xc5: {  	_ =	sfence.sel $0xFFFF  }
0xc6: {  	[dreg:$0x0] =	wrdreg $0xFFFFFFFF;
	(pc) =	sbr.abs _section_cstart, $3  }
0xc7: {  	[dreg:$0x1] =	wrdreg $0xFFFFFFFF  }
0xc8: {  	_ =	task.clear_ibuf [dreg:s8], $0x2FFFF;
	_ =	strace $0x9FFFFFFF  }
0xc9: {  	(tm) =	ssettm $0x7FFFFFFF  }
tec
execute0_lowered:
.L_overlay_start_1:
0x0: {  	(tag) =	ssettag $0x1  }
0x1: {  	s1 =	rddreg [dreg:$0x0]  }
0x2: {  	s2 =	srdreg.scid;
	s0 =	stileid.u32  }
0x3: {  	s5 =	rddreg [dreg:$0x1];
	s2 =	sand.u32 $0x1, s2;
	s3 =	sshll.u32 s0, $0x1  }
0x4: {  	s6 =	rddreg [dreg:$0x2];
	s7 =	sor.u32 s2, s3;
	s3 =	simm.s32 $0x0  }
0x5: {  	s20 =	simm.s32 $0x80;
	[smem:$0x7FF] =	sst s3  }
0x6: {  	s21 =	simm.s32 $0x100;
	_ =	strace $0x8000004A;
	[dreg:$0x9] =	wrdreg s20  }
0x7: {  	s22 =	simm.s32 $0x980;
	[dreg:$0xa] =	wrdreg s21  }
0x8: {  	s23 =	simm.s32 $0x1180;
	[dreg:$0xb] =	wrdreg s22  }
0x9: {  	s24 =	simm.s32 $0x1980;
	s25 =	simm.s32 $0x2180;
	[dreg:$0xc] =	wrdreg s23  }
0xa: {  	s26 =	simm.s32 $0x2980;
	s14 =	simm.s32 $0x8180;
	[dreg:$0xd] =	wrdreg s24  }
0xb: {  	s15 =	simm.s32 $0x8980;
	s16 =	simm.s32 $0x9180;
	[dreg:$0xe] =	wrdreg s25  }
0xc: {  	p0 =	slt.u32 s0, $0x7;
	s0 =	simm.s32 $0x3180;
	[dreg:$0xf] =	wrdreg s26  }
0xd: {  	s17 =	simm.s32 $0x9980;
	s28 =	simm.s32 $0x16180;
	[dreg:$0x10] =	wrdreg s0  }
0xe: {  	s29 =	simm.s32 $0x1;
	s30 =	simm.s32 $0x4;
	[dreg:$0x19] =	wrdreg s14  }
0xf: {  	s31 =	simm.s32 $0x2;
	s9 =	sadd.s32 $0x2A00, s5;
	[dreg:$0x1a] =	wrdreg s15  }
0x10: {  	s5 =	sadd.s32 $0x2C00, s5;
	s2 =	ssub.s32 $0x2, s2;
	[dreg:$0x1b] =	wrdreg s16  }
0x11: {  	s8 =	smul.u32 $0x78, s7;
	p1 =	slt.u32 s7, $0xD;
	[dreg:$0x1c] =	wrdreg s17  }
0x12: {  	s20 =	sshrl.u32 s2, $0x1;
	s21 =	simm.s32 $0xB180;
	s22 =	simm.s32 $0xB980  }
0x13: {  	s23 =	simm.s32 $0xC180;
	s24 =	simm.s32 $0xC980;
	s25 =	simm.s32 $0xD180  }
0x14: {  	s26 =	simm.s32 $0xD980;
	s14 =	simm.s32 $0xF980;
	[dreg:$0x1f] =	wrdreg s21  }
0x15: {  	s15 =	simm.s32 $0x10180;
	s16 =	simm.s32 $0x10980;
	[smem:$0x7F9] =	sst s22  }
0x16: {  	s17 =	simm.s32 $0x11180;
	s4 =	sadd.s32 $0x28, s8;
	[smem:$0x7FA] =	sst s23  }
0x17: {  	s10 =	sshrl.u32 s8, $0x3;
	s12 =	sadd.s32 $0xFFFFF9C0, s8;
	[smem:$0x7FB] =	sst s24  }
0x18: {  	s19 =	sadd.s32 $0xFFFFF9E8, s8;
	s8 =	sadd.s32 $0xFFFFFA10, s8;
	[smem:$0x7FC] =	sst s25  }
0x19: {  	s2 =	ssub.s32 s2, s20;
	[smem:$0x7FD] =	sst s26;
	s20 =	simm.s32 $0x12980  }
0x1a: {  	s21 =	simm.s32 $0x13180;
	s22 =	simm.s32 $0x13980;
	s23 =	simm.s32 $0x14180  }
0x1b: {  	s24 =	simm.s32 $0x14980;
	s25 =	simm.s32 $0x15180;
	s11 =	sshrl.u32 s4, $0x3  }
0x1c: {  	s4 =	sadd.s32 s9, s10;
	s12 =	sshrl.u32 s12, $0x3;
	s10 =	smul.u32 $0x300, s10  }
0x1d: {  	s8 =	sshrl.u32 s8, $0x3;
	s9 =	sadd.s32 s9, s11;
	s18 =	smul.u32 $0x300, s12  }
0x1e: {  	s12 =	sshrl.u32 s19, $0x3;
	s13 =	sadd.s32 $0xA, s4;
	s8 =	smul.u32 $0x300, s8  }
0x1f: {  	s11 =	smul.u32 $0x300, s11;
	s19 =	simm.s32 $0xA980;
	[dreg:$0x4] =	wrdreg s9  }
0x20: {  	s12 =	smul.u32 $0x300, s12;
	[dreg:$0x5] =	wrdreg s13;
	s10 =	sadd.s32 s6, s10  }
0x21: {  	s13 =	simm.s32 $0x7180;
	[dreg:$0x1e] =	wrdreg s19;
	s9 =	sadd.s32 s5, s18  }
0x22: {  	s6 =	sadd.s32 s6, s11;
	s11 =	simm.s32 $0x6180;
	[dreg:$0x18] =	wrdreg s13  }
0x23: {  	s18 =	simm.s32 $0xA180;
	s7 =	sadd.s32 s5, s12;
	[dreg:$0x16] =	wrdreg s11  }
0x24: {  	s5 =	sadd.s32 s5, s8;
	s9 =	smov.u32 @p0 s10;
	[dreg:$0x1d] =	wrdreg s18  }
0x25: {  	s8 =	sadd.s32 $0x1E00, s10;
	s10 =	simm.s32 $0x5980;
	[dreg:$0x6] =	wrdreg s9  }
0x26: {  	s26 =	simm.s32 $0x15980;
	s12 =	simm.s32 $0x6980;
	[dreg:$0x15] =	wrdreg s10  }
0x27: {  	s19 =	simm.s32 $0x12180;
	s7 =	smov.u32 @p1 s6;
	[dreg:$0x17] =	wrdreg s12  }
0x28: {  	s13 =	simm.s32 $0xF180;
	s5 =	smov.u32 @p1 s8;
	[dreg:$0x7] =	wrdreg s7  }
0x29: {  	s18 =	simm.s32 $0x11980;
	s6 =	simm.s32 $0x3980;
	[dreg:$0x8] =	wrdreg s5  }
0x2a: {  	s8 =	simm.s32 $0x4980;
	s9 =	simm.s32 $0x5180;
	[dreg:$0x11] =	wrdreg s6  }
0x2b: {  	s10 =	simm.s32 $0x7980;
	s12 =	simm.s32 $0xE980;
	[dreg:$0x13] =	wrdreg s8  }
0x2c: {  	v2 =	vlaneseq.u32;
	s7 =	simm.s32 $0x4180;
	[dreg:$0x14] =	wrdreg s9;
	s5 =	sadd.s32 $0x100, s1  }
0x2d: {  	vm0 =	vmmov $0xffff;
	v1 =	vshrl.u32 v2, $0x3;
	s6 =	sadd.s32 $0x200, s1;
	s8 =	simm.s32 $0x5;
	s9 =	simm.s32 $0x180  }
0x2e: {  	v0 =	vand.u32 $0x7, v2;
	v2 =	vor.u32 $0x8, v2;
	v1 =	vmul.u32 $0x8, v1;
	[dreg:$0x12] =	wrdreg s7;
	s7 =	smax.u32 s2, $0x1;
	s2 =	simm.s32 $0x3  }
.LBB2_1:
0x2f: {  	[tilespmem:s3], [sflag:$0x5] =	stream.linear.gather [hbm4b:s4+s3], $0x28, $0x38;
	[tilespmem:$0x16980] =	vst v63  }
0x30: {  	_ =	swait.ge [sflag:s8], $0x28  }
0x31: {  	s0 =	rddreg [dreg:$0x4];
	[sflag:s8] =	ssyncset.done $0x0  }
0x32: {  	s11 =	rddreg [dreg:$0x9];
	[sflag:s8] =	ssyncadd.s32 $0xFFFFFFD8  }
0x33: {  	[tilespmem:s11], [sflag:$0x5] =	stream.linear.gather [hbm4b:s0+s3], $0x28, $0x38;
	[tilespmem:$0x16980] =	vst v63  }
0x34: {  	_ =	swait.ge [sflag:s8], $0x28  }
0x35: {  	s0 =	rddreg [dreg:$0x5];
	[sflag:s8] =	ssyncset.done $0x0  }
0x36: {  	s11 =	rddreg [dreg:$0xa];
	[sflag:s8] =	ssyncadd.s32 $0xFFFFFFD8  }
0x37: {  	[tilespmem:s11], [sflag:$0x5] =	stream.linear.gather [hbm4b:s0+s3], $0x28, $0x38;
	[tilespmem:$0x16980] =	vst v63  }
0x38: {  	_ =	swait.ge [sflag:s8], $0x28  }
0x39: {  	[sflag:s8] =	ssyncset.done $0x0  }
0x3a: {  	[sflag:s8] =	ssyncadd.s32 $0xFFFFFFD8  }
0x3b: {  	v3 =	vld [tilespmem:$0x0];
	_ =	sdelay $0x4  }
0x3c: {  	v4 =	vshrl.u32 v3, $0x3  }
0x3d: {  	v4 =	vmul.u32 $0x30, v4  }
0x3e: {  	v3 =	vand.u32 $0x7, v3  }
0x3f: {  	v3 =	vor.u32 v3, v4  }
0x40: {  	v4 =	vperm.xlane v3, v0;
	_ =	sdelay $0x1  }
0x41: {  	v4 =	vadd.s32 v1, v4;
	_ =	sdelay $0x3  }
0x42: {  	v3 =	vperm.xlane v3, v2  }
0x43: {  	[tilespmem:s9], [sflag:$0x1] =	stream.indirect_vreg.gather [hbm4b:s1+s3], $0x80, v4, vm0, $0xb8;
	[tilespmem:$0x16980] =	vst v63  }
0x44: {  	s0 =	rddreg [dreg:$0xb];
	v3 =	vadd.s32 v1, v3  }
0x45: {  	[tilespmem:s0], [sflag:$0x1] =	stream.indirect_vreg.gather [hbm4b:s5+s3], $0x80, v4, vm0, $0xb8;
	[tilespmem:$0x16980] =	vst v63  }
0x46: {  	s11 =	rddreg [dreg:$0xc]  }
0x47: {  	[tilespmem:s11], [sflag:$0x1] =	stream.indirect_vreg.gather [hbm4b:s6+s3], $0x80, v4, vm0, $0xb8;
	[tilespmem:$0x16980] =	vst v63  }
0x48: {  	s0 =	rddreg [dreg:$0xd]  }
0x49: {  	[tilespmem:s0], [sflag:$0x1] =	stream.indirect_vreg.gather [hbm4b:s1+s3], $0x80, v3, vm0, $0xb8;
	[tilespmem:$0x16980] =	vst v63  }
0x4a: {  	s11 =	rddreg [dreg:$0xe]  }
0x4b: {  	[tilespmem:s11], [sflag:$0x1] =	stream.indirect_vreg.gather [hbm4b:s5+s3], $0x80, v3, vm0, $0xb8;
	[tilespmem:$0x16980] =	vst v63  }
0x4c: {  	s0 =	rddreg [dreg:$0xf]  }
0x4d: {  	[tilespmem:s0], [sflag:$0x1] =	stream.indirect_vreg.gather [hbm4b:s6+s3], $0x80, v3, vm0, $0xb8;
	[tilespmem:$0x16980] =	vst v63  }
0x4e: {  	v3 =	vld [tilespmem:$0x10];
	_ =	sdelay $0x4  }
0x4f: {  	v56 =	vshrl.u32 v3, $0x3  }
0x50: {  	v4 =	vmul.u32 $0x30, v56  }
0x51: {  	v3 =	vand.u32 $0x7, v3  }
0x52: {  	v3 =	vor.u32 v3, v4  }
0x53: {  	v4 =	vperm.xlane v3, v0;
	_ =	sdelay $0x1  }
0x54: {  	v4 =	vadd.s32 v1, v4;
	_ =	sdelay $0x3  }
0x55: {  	s0 =	rddreg [dreg:$0x10];
	v3 =	vperm.xlane v3, v2  }
0x56: {  	[tilespmem:s0], [sflag:$0x1] =	stream.indirect_vreg.gather [hbm4b:s1+s3], $0x80, v4, vm0, $0xb8;
	[tilespmem:$0x16980] =	vst v63  }
0x57: {  	s11 =	rddreg [dreg:$0x11];
	v3 =	vadd.s32 v1, v3  }
0x58: {  	[tilespmem:s11], [sflag:$0x1] =	stream.indirect_vreg.gather [hbm4b:s5+s3], $0x80, v4, vm0, $0xb8;
	[tilespmem:$0x16980] =	vst v63  }
0x59: {  	s0 =	rddreg [dreg:$0x12]  }
0x5a: {  	[tilespmem:s0], [sflag:$0x1] =	stream.indirect_vreg.gather [hbm4b:s6+s3], $0x80, v4, vm0, $0xb8;
	[tilespmem:$0x16980] =	vst v63  }
0x5b: {  	s11 =	rddreg [dreg:$0x13]  }
0x5c: {  	[tilespmem:s11], [sflag:$0x1] =	stream.indirect_vreg.gather [hbm4b:s1+s3], $0x80, v3, vm0, $0xb8;
	[tilespmem:$0x16980] =	vst v63  }
0x5d: {  	s0 =	rddreg [dreg:$0x14]  }
0x5e: {  	[tilespmem:s0], [sflag:$0x1] =	stream.indirect_vreg.gather [hbm4b:s5+s3], $0x80, v3, vm0, $0xb8;
	[tilespmem:$0x16980] =	vst v63  }
0x5f: {  	s11 =	rddreg [dreg:$0x15]  }
0x60: {  	[tilespmem:s11], [sflag:$0x1] =	stream.indirect_vreg.gather [hbm4b:s6+s3], $0x80, v3, vm0, $0xb8;
	[tilespmem:$0x16980] =	vst v63  }
0x61: {  	v3 =	vld.msk [tilespmem:$0x20], $0xff;
	_ =	sdelay $0x4  }
0x62: {  	v57 =	vshrl.u32 v3, $0x3  }
0x63: {  	v4 =	vmul.u32 $0x30, v57  }
0x64: {  	v3 =	vand.u32 $0x7, v3  }
0x65: {  	v3 =	vor.u32 v3, v4  }
0x66: {  	v3 =	vperm.xlane v3, v0;
	_ =	sdelay $0x1  }
0x67: {  	v3 =	vadd.s32 v1, v3;
	_ =	sdelay $0x3  }
0x68: {  	s0 =	rddreg [dreg:$0x16]  }
0x69: {  	[tilespmem:s0], [sflag:$0x1] =	stream.indirect_vreg.gather [hbm4b:s1+s3], $0x80, v3, vm0, $0xb8;
	[tilespmem:$0x16980] =	vst v63  }
0x6a: {  	s11 =	rddreg [dreg:$0x17]  }
0x6b: {  	[tilespmem:s11], [sflag:$0x1] =	stream.indirect_vreg.gather [hbm4b:s5+s3], $0x80, v3, vm0, $0xb8;
	[tilespmem:$0x16980] =	vst v63  }
0x6c: {  	s0 =	rddreg [dreg:$0x18]  }
0x6d: {  	[tilespmem:s0], [sflag:$0x1] =	stream.indirect_vreg.gather [hbm4b:s6+s3], $0x80, v3, vm0, $0xb8;
	[tilespmem:$0x16980] =	vst v63  }
0x6e: {  	v3 =	vld [tilespmem:$0x80];
	_ =	sdelay $0x4  }
0x6f: {  	v58 =	vshrl.u32 v3, $0x3  }
0x70: {  	v4 =	vmul.u32 $0x30, v58  }
0x71: {  	v3 =	vand.u32 $0x7, v3  }
0x72: {  	v3 =	vor.u32 v3, v4  }
0x73: {  	v4 =	vperm.xlane v3, v0;
	_ =	sdelay $0x1  }
0x74: {  	v4 =	vadd.s32 v1, v4;
	_ =	sdelay $0x3  }
0x75: {  	v3 =	vperm.xlane v3, v2  }
0x76: {  	[tilespmem:s10], [sflag:$0x2] =	stream.indirect_vreg.gather [hbm4b:s1+s3], $0x80, v4, vm0, $0xb8;
	[tilespmem:$0x16980] =	vst v63  }
0x77: {  	s0 =	rddreg [dreg:$0x19];
	v3 =	vadd.s32 v1, v3  }
0x78: {  	[tilespmem:s0], [sflag:$0x2] =	stream.indirect_vreg.gather [hbm4b:s5+s3], $0x80, v4, vm0, $0xb8;
	[tilespmem:$0x16980] =	vst v63  }
0x79: {  	s11 =	rddreg [dreg:$0x1a]  }
0x7a: {  	[tilespmem:s11], [sflag:$0x2] =	stream.indirect_vreg.gather [hbm4b:s6+s3], $0x80, v4, vm0, $0xb8;
	[tilespmem:$0x16980] =	vst v63  }
0x7b: {  	s0 =	rddreg [dreg:$0x1b]  }
0x7c: {  	[tilespmem:s0], [sflag:$0x2] =	stream.indirect_vreg.gather [hbm4b:s1+s3], $0x80, v3, vm0, $0xb8;
	[tilespmem:$0x16980] =	vst v63  }
0x7d: {  	s11 =	rddreg [dreg:$0x1c]  }
0x7e: {  	[tilespmem:s11], [sflag:$0x2] =	stream.indirect_vreg.gather [hbm4b:s5+s3], $0x80, v3, vm0, $0xb8;
	[tilespmem:$0x16980] =	vst v63  }
0x7f: {  	s0 =	rddreg [dreg:$0x1d]  }
0x80: {  	[tilespmem:s0], [sflag:$0x2] =	stream.indirect_vreg.gather [hbm4b:s6+s3], $0x80, v3, vm0, $0xb8;
	[tilespmem:$0x16980] =	vst v63  }
0x81: {  	v3 =	vld [tilespmem:$0x90];
	_ =	sdelay $0x4  }
0x82: {  	v59 =	vshrl.u32 v3, $0x3  }
0x83: {  	v4 =	vmul.u32 $0x30, v59  }
0x84: {  	v3 =	vand.u32 $0x7, v3  }
0x85: {  	v3 =	vor.u32 v3, v4  }
0x86: {  	v4 =	vperm.xlane v3, v0;
	_ =	sdelay $0x1  }
0x87: {  	v4 =	vadd.s32 v1, v4;
	_ =	sdelay $0x2  }
0x88: {  	s11 =	rddreg [dreg:$0x1f]  }
0x89: {  	s0 =	rddreg [dreg:$0x1e];
	v3 =	vperm.xlane v3, v2  }
0x8a: {  	[tilespmem:s0], [sflag:$0x2] =	stream.indirect_vreg.gather [hbm4b:s1+s3], $0x80, v4, vm0, $0xb8;
	[tilespmem:$0x16980] =	vst v63  }
0x8b: {  	v3 =	vadd.s32 v1, v3;
	s0 =	sld [smem:$0x7F9]  }
0x8c: {  	[tilespmem:s11], [sflag:$0x2] =	stream.indirect_vreg.gather [hbm4b:s5+s3], $0x80, v4, vm0, $0xb8;
	[tilespmem:$0x16980] =	vst v63  }
0x8d: {  	s11 =	sld [smem:$0x7FA]  }
0x8e: {  	[tilespmem:s0], [sflag:$0x2] =	stream.indirect_vreg.gather [hbm4b:s6+s3], $0x80, v4, vm0, $0xb8;
	[tilespmem:$0x16980] =	vst v63  }
0x8f: {  	s0 =	sld [smem:$0x7FB]  }
0x90: {  	[tilespmem:s11], [sflag:$0x2] =	stream.indirect_vreg.gather [hbm4b:s1+s3], $0x80, v3, vm0, $0xb8;
	[tilespmem:$0x16980] =	vst v63  }
0x91: {  	s11 =	sld [smem:$0x7FC]  }
0x92: {  	[tilespmem:s0], [sflag:$0x2] =	stream.indirect_vreg.gather [hbm4b:s5+s3], $0x80, v3, vm0, $0xb8;
	[tilespmem:$0x16980] =	vst v63  }
0x93: {  	_ = 	snop  }
0x94: {  	[tilespmem:s11], [sflag:$0x2] =	stream.indirect_vreg.gather [hbm4b:s6+s3], $0x80, v3, vm0, $0xb8;
	[tilespmem:$0x16980] =	vst v63  }
0x95: {  	v3 =	vld.msk [tilespmem:$0xA0], $0xff;
	_ =	sdelay $0x4  }
0x96: {  	v60 =	vshrl.u32 v3, $0x3  }
0x97: {  	v4 =	vmul.u32 $0x30, v60  }
0x98: {  	v3 =	vand.u32 $0x7, v3  }
0x99: {  	v3 =	vor.u32 v3, v4  }
0x9a: {  	v3 =	vperm.xlane v3, v0;
	_ =	sdelay $0x1  }
0x9b: {  	v3 =	vadd.s32 v1, v3;
	_ =	sdelay $0x1  }
0x9c: {  	s11 =	sld [smem:$0x7FD];
	_ =	sdelay $0x2  }
0x9d: {  	[tilespmem:s11], [sflag:$0x2] =	stream.indirect_vreg.gather [hbm4b:s1+s3], $0x80, v3, vm0, $0xb8;
	[tilespmem:$0x16980] =	vst v63  }
0x9e: {  	s11 =	simm.s32 $0xE180  }
0x9f: {  	[tilespmem:s11], [sflag:$0x2] =	stream.indirect_vreg.gather [hbm4b:s5+s3], $0x80, v3, vm0, $0xb8;
	[tilespmem:$0x16980] =	vst v63  }
0xa0: {  	_ = 	snop  }
0xa1: {  	[tilespmem:s12], [sflag:$0x2] =	stream.indirect_vreg.gather [hbm4b:s6+s3], $0x80, v3, vm0, $0xb8;
	[tilespmem:$0x16980] =	vst v63  }
0xa2: {  	v3 =	vld [tilespmem:$0x100];
	_ =	sdelay $0x4  }
0xa3: {  	v61 =	vshrl.u32 v3, $0x3  }
0xa4: {  	v4 =	vmul.u32 $0x30, v61  }
0xa5: {  	v3 =	vand.u32 $0x7, v3  }
0xa6: {  	v3 =	vor.u32 v3, v4  }
0xa7: {  	v4 =	vperm.xlane v3, v0;
	_ =	sdelay $0x1  }
0xa8: {  	v4 =	vadd.s32 v1, v4;
	_ =	sdelay $0x3  }
0xa9: {  	v3 =	vperm.xlane v3, v2  }
0xaa: {  	[tilespmem:s13], [sflag:$0x3] =	stream.indirect_vreg.gather [hbm4b:s1+s3], $0x80, v4, vm0, $0xb8;
	[tilespmem:$0x16980] =	vst v63  }
0xab: {  	v3 =	vadd.s32 v1, v3  }
0xac: {  	[tilespmem:s14], [sflag:$0x3] =	stream.indirect_vreg.gather [hbm4b:s5+s3], $0x80, v4, vm0, $0xb8;
	[tilespmem:$0x16980] =	vst v63  }
0xad: {  	_ = 	snop  }
0xae: {  	[tilespmem:s15], [sflag:$0x3] =	stream.indirect_vreg.gather [hbm4b:s6+s3], $0x80, v4, vm0, $0xb8;
	[tilespmem:$0x16980] =	vst v63  }
0xaf: {  	_ = 	snop  }
0xb0: {  	[tilespmem:s16], [sflag:$0x3] =	stream.indirect_vreg.gather [hbm4b:s1+s3], $0x80, v3, vm0, $0xb8;
	[tilespmem:$0x16980] =	vst v63  }
0xb1: {  	_ = 	snop  }
0xb2: {  	[tilespmem:s17], [sflag:$0x3] =	stream.indirect_vreg.gather [hbm4b:s5+s3], $0x80, v3, vm0, $0xb8;
	[tilespmem:$0x16980] =	vst v63  }
0xb3: {  	_ = 	snop  }
0xb4: {  	[tilespmem:s18], [sflag:$0x3] =	stream.indirect_vreg.gather [hbm4b:s6+s3], $0x80, v3, vm0, $0xb8;
	[tilespmem:$0x16980] =	vst v63  }
0xb5: {  	v3 =	vld [tilespmem:$0x110];
	_ =	sdelay $0x4  }
0xb6: {  	v62 =	vshrl.u32 v3, $0x3  }
0xb7: {  	v4 =	vmul.u32 $0x30, v62  }
0xb8: {  	v3 =	vand.u32 $0x7, v3  }
0xb9: {  	v3 =	vor.u32 v3, v4  }
0xba: {  	v4 =	vperm.xlane v3, v0;
	_ =	sdelay $0x1  }
0xbb: {  	v4 =	vadd.s32 v1, v4;
	_ =	sdelay $0x3  }
0xbc: {  	v3 =	vperm.xlane v3, v2  }
0xbd: {  	[tilespmem:s19], [sflag:$0x3] =	stream.indirect_vreg.gather [hbm4b:s1+s3], $0x80, v4, vm0, $0xb8;
	[tilespmem:$0x16980] =	vst v63  }
0xbe: {  	v3 =	vadd.s32 v1, v3  }
0xbf: {  	[tilespmem:s20], [sflag:$0x3] =	stream.indirect_vreg.gather [hbm4b:s5+s3], $0x80, v4, vm0, $0xb8;
	[tilespmem:$0x16980] =	vst v63  }
0xc0: {  	_ = 	snop  }
0xc1: {  	[tilespmem:s21], [sflag:$0x3] =	stream.indirect_vreg.gather [hbm4b:s6+s3], $0x80, v4, vm0, $0xb8;
	[tilespmem:$0x16980] =	vst v63  }
0xc2: {  	_ = 	snop  }
0xc3: {  	[tilespmem:s22], [sflag:$0x3] =	stream.indirect_vreg.gather [hbm4b:s1+s3], $0x80, v3, vm0, $0xb8;
	[tilespmem:$0x16980] =	vst v63  }
0xc4: {  	_ = 	snop  }
0xc5: {  	[tilespmem:s23], [sflag:$0x3] =	stream.indirect_vreg.gather [hbm4b:s5+s3], $0x80, v3, vm0, $0xb8;
	[tilespmem:$0x16980] =	vst v63  }
0xc6: {  	_ = 	snop  }
0xc7: {  	[tilespmem:s24], [sflag:$0x3] =	stream.indirect_vreg.gather [hbm4b:s6+s3], $0x80, v3, vm0, $0xb8;
	[tilespmem:$0x16980] =	vst v63  }
0xc8: {  	v3 =	vld.msk [tilespmem:$0x120], $0xff;
	_ =	sdelay $0x4  }
0xc9: {  	v63 =	vshrl.u32 v3, $0x3  }
0xca: {  	v4 =	vmul.u32 $0x30, v63  }
0xcb: {  	v3 =	vand.u32 $0x7, v3  }
0xcc: {  	v3 =	vor.u32 v3, v4  }
0xcd: {  	v3 =	vperm.xlane v3, v0;
	_ =	sdelay $0x1  }
0xce: {  	v3 =	vadd.s32 v1, v3;
	_ =	sdelay $0x4  }
0xcf: {  	[tilespmem:s25], [sflag:$0x3] =	stream.indirect_vreg.gather [hbm4b:s1+s3], $0x80, v3, vm0, $0xb8;
	[tilespmem:$0x16980] =	vst v63  }
0xd0: {  	_ = 	snop  }
0xd1: {  	[tilespmem:s26], [sflag:$0x3] =	stream.indirect_vreg.gather [hbm4b:s5+s3], $0x80, v3, vm0, $0xb8;
	[tilespmem:$0x16980] =	vst v63  }
0xd2: {  	_ = 	snop  }
0xd3: {  	[tilespmem:s28], [sflag:$0x3] =	stream.indirect_vreg.gather [hbm4b:s6+s3], $0x80, v3, vm0, $0xb8;
	[tilespmem:$0x16980] =	vst v63  }
0xd4: {  	_ =	swait.ge [sflag:s29], $0x7800  }
0xd5: {  	[sflag:s29] =	ssyncset.done $0x0  }
0xd6: {  	s11 =	rddreg [dreg:$0x6];
	[sflag:s29] =	ssyncadd.s32 $0xFFFF8800  }
0xd7: {  	[hbm4b:s11+s3] =	stream.linear.scatter [tilespmem:s9], [sflag:$0x4], $0x7800, $0x38;
	[tilespmem:$0x16980] =	vst v63  }
0xd8: {  	_ =	swait.ge [sflag:s30], $0x7800  }
0xd9: {  	[sflag:s30] =	ssyncset.done $0x0  }
0xda: {  	[sflag:s30] =	ssyncadd.s32 $0xFFFF8800  }
0xdb: {  	_ =	swait.ge [sflag:s31], $0x7800  }
0xdc: {  	[sflag:s31] =	ssyncset.done $0x0  }
0xdd: {  	s11 =	rddreg [dreg:$0x7];
	[sflag:s31] =	ssyncadd.s32 $0xFFFF8800  }
0xde: {  	[hbm4b:s11+s3] =	stream.linear.scatter [tilespmem:s10], [sflag:$0x4], $0x7800, $0x38;
	[tilespmem:$0x16980] =	vst v63  }
0xdf: {  	_ =	swait.ge [sflag:s30], $0x7800  }
0xe0: {  	[sflag:s30] =	ssyncset.done $0x0  }
0xe1: {  	[sflag:s30] =	ssyncadd.s32 $0xFFFF8800  }
0xe2: {  	_ =	swait.ge [sflag:s2], $0x7800  }
0xe3: {  	p0 =	sne.s32 s7, $0x1;
	[sflag:s2] =	ssyncset.done $0x0  }
.Ltmp0:
0xe4: {  	s11 =	rddreg [dreg:$0x8];
	[sflag:s2] =	ssyncadd.s32 $0xFFFF8800;
	(pc) =	sbr.rel @p0 .LBB2_1-.Ltmp0, $4  }
0xe5: {  	[hbm4b:s11+s3] =	stream.linear.scatter [tilespmem:s13], [sflag:$0x4], $0x7800, $0x38;
	[tilespmem:$0x16980] =	vst v63  }
0xe6: {  	_ =	swait.ge [sflag:s30], $0x7800  }
0xe7: {  	[sflag:s30] =	ssyncset.done $0x0  }
0xe8: {  	s7 =	sadd.s32 $0xFFFFFFFF, s7;
	[sflag:s30] =	ssyncadd.s32 $0xFFFF8800  }
0xe9: {  	_ =	sfence.sel $0x180000  }
0xea: {  	[bflag:$0x0] =	sbarrier.arrive $0xFFFF  }
0xeb: {  	_ =	strace $0x9000004A  }
0xec: {  	s0 =	stileid.u32;
	[bflag:$0x2] =	sbarrier.arrive $0xFFFF  }
0xed: {  	p0 =	sne.s32 s0, $0x0;
	s0 =	rddreg [dreg:$0x3]  }
0xee: {  	s0 =	sadd.s32 @!p0 $0x100000, s0  }
0xef: {  	[sflag:s0] =	ssyncadd.tile.s32 @!p0 $0x1;
	_ =	shalt  }
.Lfunc_end2:
_tile_overlayer_lowered:
.L_overlay_start_2:
0xf0: {  	(tag) =	ssettag $0x2  }
0xf1: {  	s0 =	rddreg [dreg:$0x0];
	s2 =	stileid.u32  }
0xf2: {  	s1 =	rddreg [dreg:$0x1];
	p0 =	sne.s32 s2, $0x0  }
0xf3: {  	s3 =	rddreg [dreg:$0x2];
	[bflag:$0x3] =	sbarrier.arrive $0xFFFF;
	s2 =	simm.s32 @!p0 $0x1C05  }
0xf4: {  	[timem:s3], [sflag:s2] =	dma.local @!p0 [hbm:s0], s1  }
0xf5: {  	s0 =	simm.s32 @!p0 $0x5  }
0xf6: {  	_ =	swait.ge @!p0 [sflag:s0], s1  }
0xf7: {  	s1 =	ssub.s32 @!p0 $0x0, s1;
	[sflag:s0] =	ssyncset.done @!p0 $0x0  }
0xf8: {  	[sflag:s0] =	ssyncadd.s32 @!p0 s1  }
0xf9: {  	[bflag:$0x3] =	sbarrier.arrive $0xFFFF  }
0xfa: {  	_ =	shalt  }

</sc_bundles>
